<compile_context>
chip_gen: v7x
topology: tpu7x:2x2x1
jax: 0.10.2.dev20260603
libtpu: 0.0.44.dev20260713+nightly
codegen_flags: <defaults>
</compile_context>

<pallas_src>
import functools

import jax
import jax.numpy as jnp
from jax import lax
from jax.experimental import pallas as pl
from jax.experimental.pallas import tpu as pltpu
from jax.experimental.pallas import tpu_sc as plsc

D = 128
NPOS, NPC, NCOL = 64, 6, 2
NFUSED = NPOS * NPC * NCOL

B, L = 16384, 32
TOK = B * L
NC, NS = 2, 16
NW = NC * NS
TPW = TOK // NW
CHUNK = 128
NCHUNK = TPW // CHUNK
ROWS = TOK // D
RPW = TPW // D
NBUF = 5
LAG = 3
LANES = 16


def _sc_body(pos_hbm, pc_hbm, col_hbm, fidx_hbm, out_hbm,
             tab_sh, fidx_v, rows, pos_v, pcrow_v, colrow_v,
             semg, semo):
    sid = lax.axis_index("s")
    wid = sid * NC + lax.axis_index("c")
    tok0 = wid * TPW
    row0 = wid * RPW

    cp_f = pltpu.async_copy(fidx_hbm.at[pl.ds(row0, RPW)], fidx_v, semg[0])

    @pl.when(sid < NPC * NCOL)
    def _build():
        m = sid
        pltpu.sync_copy(pos_hbm, pos_v)
        pltpu.sync_copy(pc_hbm.at[pl.ds(m // NCOL, 1)], pcrow_v)
        pltpu.sync_copy(col_hbm.at[pl.ds(m % NCOL, 1)], colrow_v)
        for k in range(D // LANES):
            s = pl.ds(k * LANES, LANES)
            pcrow_v[0, s] = pcrow_v[0, s] + colrow_v[0, s]

        def build_row(r, carry):
            for k in range(D // LANES):
                s = pl.ds(k * LANES, LANES)
                pos_v[r, s] = pos_v[r, s] + pcrow_v[0, s]
            return carry

        lax.fori_loop(0, NPOS, build_row, None)
        pltpu.sync_copy(pos_v, tab_sh.at[pl.ds(m * NPOS, NPOS)])

    cp_f.wait()
    plsc.subcore_barrier()

    def gather(g, b):
        pltpu.async_copy(tab_sh.at[fidx_v.at[g]], rows[b], semg[b])

    def put(g, b):
        pltpu.async_copy(rows[b], out_hbm.at[pl.ds(tok0 + g * CHUNK, CHUNK)],
                         semo[b])

    def wait_gather(g, b):
        pltpu.make_async_copy(tab_sh.at[fidx_v.at[g]], rows[b], semg[b]).wait()

    def wait_put(g, b):
        pltpu.make_async_copy(rows[b],
                              out_hbm.at[pl.ds(tok0 + g * CHUNK, CHUNK)],
                              semo[b]).wait()

    for g in range(LAG):
        gather(g, g)

    for b in range(NBUF):
        if b >= 2:
            wait_put(b - 2, b - 2)
        gather(b + LAG, (b + LAG) % NBUF)
        wait_gather(b, b)
        put(b, b)

    def step(h, carry):
        for b in range(NBUF):
            g = h * NBUF + b
            bl = (b + LAG) % NBUF
            wait_put(g - 2, bl)
            gather(g + LAG, bl)
            wait_gather(g, b)
            put(g, b)
        return carry

    nsteady = (NCHUNK - LAG) // NBUF
    lax.fori_loop(1, nsteady, step, None)

    for g in range(NBUF * nsteady, NCHUNK):
        b = g % NBUF
        wait_gather(g, b)
        put(g, b)

    for g in range(NCHUNK - NBUF, NCHUNK):
        wait_put(g, g % NBUF)


def _sc_embed(pos, pc, col, fidx2):
    mesh = plsc.VectorSubcoreMesh(core_axis_name="c", subcore_axis_name="s")
    f = functools.partial(
        pl.kernel,
        out_type=jax.ShapeDtypeStruct((TOK, D), jnp.float32),
        mesh=mesh,
        scratch_types=[
            pltpu.VMEM_SHARED((NFUSED, D), jnp.float32),
            pltpu.VMEM((RPW, D), jnp.int32),
            [pltpu.VMEM((CHUNK, D), jnp.float32) for _ in range(NBUF)],
            pltpu.VMEM((NPOS, D), jnp.float32),
            pltpu.VMEM((1, D), jnp.float32),
            pltpu.VMEM((1, D), jnp.float32),
            [pltpu.SemaphoreType.DMA for _ in range(NBUF)],
            [pltpu.SemaphoreType.DMA for _ in range(NBUF)],
        ],
    )(_sc_body)
    return f(pos, pc, col, fidx2)


def kernel(pieces_ids, color_ids, indexes, position_emb, piece_emb, color_emb):
    fidx = (pieces_ids.astype(jnp.int32) * NCOL
            + color_ids.astype(jnp.int32)) * NPOS + indexes.astype(jnp.int32)
    out = _sc_embed(position_emb, piece_emb, color_emb, fidx.reshape(ROWS, D))
    return out.reshape(B, L, D)

# --- scband reference (transcript-rebuilt; emitter-appended) ---
"""Pipeline reference for scband-chess-former-embedding-17343077941849 (READ-ONLY COPY).

The authoritative reference and input builder live on the scoring server;
editing this copy changes nothing except your own understanding.
"""

import jax, jax.numpy as jnp
import numpy as np

EMBED_DIM = 128
B, L = 16384, 32

def setup_inputs(seed: int = 0) -> dict:
    key = jax.random.key(seed)
    k1, k2, k3, k4, k5, k6 = jax.random.split(key, 6)
    pieces_ids = jax.random.randint(k1, (B, L), 0, 6, dtype=jnp.int64 if jax.config.jax_enable_x64 else jnp.int32)
    color_ids = jax.random.randint(k2, (B, L), 0, 2, dtype=jnp.int64 if jax.config.jax_enable_x64 else jnp.int32)
    indexes = jax.random.randint(k3, (B, L), 0, 64, dtype=jnp.int64 if jax.config.jax_enable_x64 else jnp.int32)
    position_emb = jax.random.normal(k4, (64, EMBED_DIM), dtype=jnp.float32)
    piece_emb = jax.random.normal(k5, (6, EMBED_DIM), dtype=jnp.float32)
    color_emb = jax.random.normal(k6, (2, EMBED_DIM), dtype=jnp.float32)
    return {
        "pieces_ids": pieces_ids,
        "color_ids": color_ids,
        "indexes": indexes,
        "position_emb": position_emb,
        "piece_emb": piece_emb,
        "color_emb": color_emb,
    }

def reference(pieces_ids, color_ids, indexes, position_emb, piece_emb, color_emb):
    pos = jnp.take(position_emb, indexes, axis=0)
    pc = jnp.take(piece_emb, pieces_ids, axis=0)
    col = jnp.take(color_emb, color_ids, axis=0)
    return pos + pc + col

if __name__ == "__main__":
    import jax
    _d = setup_inputs()
    print(jax.jit(kernel)(*tuple(_d.values())))

</pallas_src>

<mosaic_0001>
#map = affine_map<(d0, d1) -> (0, 0)>
module attributes {stable_mosaic.version = 14 : i64} {
  func.func @_sc_body(%arg0: i32, %arg1: i32, %arg2: memref<64x128xf32, #tpu.memory_space<hbm>>, %arg3: memref<6x128xf32, #tpu.memory_space<hbm>>, %arg4: memref<2x128xf32, #tpu.memory_space<hbm>>, %arg5: memref<4096x128xi32, #tpu.memory_space<hbm>>, %arg6: memref<524288x128xf32, #tpu.memory_space<hbm>>, %arg7: memref<768x128xf32, #tpu.memory_space<vmem_shared>>, %arg8: memref<128x128xi32, #tpu.memory_space<vmem>>, %arg9: memref<128x128xf32, #tpu.memory_space<vmem>>, %arg10: memref<128x128xf32, #tpu.memory_space<vmem>>, %arg11: memref<128x128xf32, #tpu.memory_space<vmem>>, %arg12: memref<128x128xf32, #tpu.memory_space<vmem>>, %arg13: memref<128x128xf32, #tpu.memory_space<vmem>>, %arg14: memref<64x128xf32, #tpu.memory_space<vmem>>, %arg15: memref<1x128xf32, #tpu.memory_space<vmem>>, %arg16: memref<1x128xf32, #tpu.memory_space<vmem>>, %arg17: memref<!tpu.dma_semaphore, #tpu.memory_space<semaphore_mem>>, %arg18: memref<!tpu.dma_semaphore, #tpu.memory_space<semaphore_mem>>, %arg19: memref<!tpu.dma_semaphore, #tpu.memory_space<semaphore_mem>>, %arg20: memref<!tpu.dma_semaphore, #tpu.memory_space<semaphore_mem>>, %arg21: memref<!tpu.dma_semaphore, #tpu.memory_space<semaphore_mem>>, %arg22: memref<!tpu.dma_semaphore, #tpu.memory_space<semaphore_mem>>, %arg23: memref<!tpu.dma_semaphore, #tpu.memory_space<semaphore_mem>>, %arg24: memref<!tpu.dma_semaphore, #tpu.memory_space<semaphore_mem>>, %arg25: memref<!tpu.dma_semaphore, #tpu.memory_space<semaphore_mem>>, %arg26: memref<!tpu.dma_semaphore, #tpu.memory_space<semaphore_mem>>) attributes {dimension_semantics = [#tpu.dimension_semantics<core_parallel>, #tpu.dimension_semantics<subcore_parallel>], iteration_bounds = array<i64: 2, 16>, scalar_prefetch = 0 : i64, scratch_operands = 20 : i64, tpu.core_type = #tpu.core_type<sc_vector_subcore>, window_params = [{transform_indices = #map}, {transform_indices = #map}, {transform_indices = #map}, {transform_indices = #map}, {transform_indices = #map}]} {
    %mul3A = arith.constant 2 : i32
    %mul3A_0 = arith.muli %arg1, %mul3A : i32
    %add3A = arith.addi %mul3A_0, %arg0 : i32
    %mul3A_1 = arith.constant 16384 : i32
    %mul3A_2 = arith.muli %add3A, %mul3A_1 : i32
    %mul3A_3 = arith.constant 128 : i32
    %mul3A_4 = arith.muli %add3A, %mul3A_3 : i32
    %dma_start3A = arith.constant 0 : i32
    %dma_start3A_5 = tpu.memref_slice %arg5[%mul3A_4, %dma_start3A] : memref<4096x128xi32, #tpu.memory_space<hbm>> -> memref<128x128xi32, #tpu.memory_space<hbm>>
    %dma_start3A_6 = arith.constant 0 : i32
    %dma_start3A_7 = tpu.memref_slice %arg5[%mul3A_4, %dma_start3A_6] : memref<4096x128xi32, #tpu.memory_space<hbm>> -> memref<128x128xi32, #tpu.memory_space<hbm>>
    tpu.enqueue_dma source(%dma_start3A_7 : memref<128x128xi32, #tpu.memory_space<hbm>>) target(%arg8 : memref<128x128xi32, #tpu.memory_space<vmem>>) target_semaphore(%arg17 : memref<!tpu.dma_semaphore, #tpu.memory_space<semaphore_mem>>)
    %lt3A = arith.constant 12 : i32
    %lt3A_8 = arith.cmpi slt, %arg1, %lt3A : i32
    %convert_element_type3A = arith.extui %lt3A_8 : i1 to i32
    %cond3A = arith.constant 0 : i32
    %cond3A_9 = arith.cmpi ne, %convert_element_type3A, %cond3A : i32
    scf.if %cond3A_9 {
      "tpu.region"() ({
        %run_scoped3A = tpu.sem_alloc : memref<!tpu.dma_semaphore, #tpu.memory_space<semaphore_mem>>
        tpu.enqueue_dma source(%arg2 : memref<64x128xf32, #tpu.memory_space<hbm>>) target(%arg14 : memref<64x128xf32, #tpu.memory_space<vmem>>) target_semaphore(%run_scoped3A : memref<!tpu.dma_semaphore, #tpu.memory_space<semaphore_mem>>)
        tpu.wait_dma2 semaphore(%run_scoped3A : memref<!tpu.dma_semaphore, #tpu.memory_space<semaphore_mem>>) src(%arg2 : memref<64x128xf32, #tpu.memory_space<hbm>>) dst(%arg14 : memref<64x128xf32, #tpu.memory_space<vmem>>)
        tpu.yield
      }) : () -> ()
      %jit3A = arith.constant 2 : i32
      %div3A = arith.divsi %arg1, %jit3A : i32
      %sign3A = arith.constant 0 : i32
      %sign3A_225 = arith.cmpi sgt, %arg1, %sign3A : i32
      %sign3A_226 = arith.extui %sign3A_225 : i1 to i32
      %sign3A_227 = arith.constant 0 : i32
      %sign3A_228 = arith.cmpi slt, %arg1, %sign3A_227 : i32
      %sign3A_229 = arith.extui %sign3A_228 : i1 to i32
      %sign3A_230 = arith.subi %sign3A_226, %sign3A_229 : i32
      %sign3A_231 = arith.constant 0 : i32
      %sign3A_232 = arith.cmpi sgt, %jit3A, %sign3A_231 : i32
      %sign3A_233 = arith.extui %sign3A_232 : i1 to i32
      %sign3A_234 = arith.constant 0 : i32
      %sign3A_235 = arith.cmpi slt, %jit3A, %sign3A_234 : i32
      %sign3A_236 = arith.extui %sign3A_235 : i1 to i32
      %sign3A_237 = arith.subi %sign3A_233, %sign3A_236 : i32
      %ne3A = arith.cmpi ne, %sign3A_230, %sign3A_237 : i32
      %rem3A = arith.remsi %arg1, %jit3A : i32
      %ne3A_238 = arith.constant 0 : i32
      %ne3A_239 = arith.cmpi ne, %rem3A, %ne3A_238 : i32
      %and3A = arith.andi %ne3A, %ne3A_239 : i1
      %sub3A = arith.constant 1 : i32
      %sub3A_240 = arith.subi %div3A, %sub3A : i32
      %select_n3A = arith.select %and3A, %sub3A_240, %div3A : i32
      "tpu.region"() ({
        %run_scoped3A = tpu.sem_alloc : memref<!tpu.dma_semaphore, #tpu.memory_space<semaphore_mem>>
        %dma_start3A_397 = arith.constant 0 : i32
        %dma_start3A_398 = tpu.memref_slice %arg3[%select_n3A, %dma_start3A_397] : memref<6x128xf32, #tpu.memory_space<hbm>> -> memref<1x128xf32, #tpu.memory_space<hbm>>
        %dma_start3A_399 = arith.constant 0 : i32
        %dma_start3A_400 = tpu.memref_slice %arg3[%select_n3A, %dma_start3A_399] : memref<6x128xf32, #tpu.memory_space<hbm>> -> memref<1x128xf32, #tpu.memory_space<hbm>>
        tpu.enqueue_dma source(%dma_start3A_400 : memref<1x128xf32, #tpu.memory_space<hbm>>) target(%arg15 : memref<1x128xf32, #tpu.memory_space<vmem>>) target_semaphore(%run_scoped3A : memref<!tpu.dma_semaphore, #tpu.memory_space<semaphore_mem>>)
        %dma_wait3A_401 = arith.constant 0 : i32
        %dma_wait3A_402 = tpu.memref_slice %arg3[%select_n3A, %dma_wait3A_401] : memref<6x128xf32, #tpu.memory_space<hbm>> -> memref<1x128xf32, #tpu.memory_space<hbm>>
        %dma_wait3A_403 = arith.constant 0 : i32
        %dma_wait3A_404 = tpu.memref_slice %arg3[%select_n3A, %dma_wait3A_403] : memref<6x128xf32, #tpu.memory_space<hbm>> -> memref<1x128xf32, #tpu.memory_space<hbm>>
        tpu.wait_dma2 semaphore(%run_scoped3A : memref<!tpu.dma_semaphore, #tpu.memory_space<semaphore_mem>>) src(%dma_wait3A_404 : memref<1x128xf32, #tpu.memory_space<hbm>>) dst(%arg15 : memref<1x128xf32, #tpu.memory_space<vmem>>)
        tpu.yield
      }) : () -> ()
      %jit3A_241 = arith.constant 2 : i32
      %eq3A = arith.constant 0 : i32
      %eq3A_242 = arith.cmpi eq, %jit3A_241, %eq3A : i32
      %jit3A_243 = arith.constant 1 : i32
      %select_n3A_244 = arith.select %eq3A_242, %jit3A_243, %jit3A_241 : i32
      %rem3A_245 = arith.remsi %arg1, %select_n3A_244 : i32
      %ne3A_246 = arith.constant 0 : i32
      %ne3A_247 = arith.cmpi ne, %rem3A_245, %ne3A_246 : i32
      %lt3A_248 = arith.constant 0 : i32
      %lt3A_249 = arith.cmpi slt, %rem3A_245, %lt3A_248 : i32
      %lt3A_250 = arith.constant 0 : i32
      %lt3A_251 = arith.cmpi slt, %select_n3A_244, %lt3A_250 : i32
      %ne3A_252 = arith.xori %lt3A_249, %lt3A_251 : i1
      %and3A_253 = arith.andi %ne3A_252, %ne3A_247 : i1
      %add3A_254 = arith.addi %rem3A_245, %select_n3A_244 : i32
      %select_n3A_255 = arith.select %and3A_253, %add3A_254, %rem3A_245 : i32
      "tpu.region"() ({
        %run_scoped3A = tpu.sem_alloc : memref<!tpu.dma_semaphore, #tpu.memory_space<semaphore_mem>>
        %dma_start3A_397 = arith.constant 0 : i32
        %dma_start3A_398 = tpu.memref_slice %arg4[%select_n3A_255, %dma_start3A_397] : memref<2x128xf32, #tpu.memory_space<hbm>> -> memref<1x128xf32, #tpu.memory_space<hbm>>
        %dma_start3A_399 = arith.constant 0 : i32
        %dma_start3A_400 = tpu.memref_slice %arg4[%select_n3A_255, %dma_start3A_399] : memref<2x128xf32, #tpu.memory_space<hbm>> -> memref<1x128xf32, #tpu.memory_space<hbm>>
        tpu.enqueue_dma source(%dma_start3A_400 : memref<1x128xf32, #tpu.memory_space<hbm>>) target(%arg16 : memref<1x128xf32, #tpu.memory_space<vmem>>) target_semaphore(%run_scoped3A : memref<!tpu.dma_semaphore, #tpu.memory_space<semaphore_mem>>)
        %dma_wait3A_401 = arith.constant 0 : i32
        %dma_wait3A_402 = tpu.memref_slice %arg4[%select_n3A_255, %dma_wait3A_401] : memref<2x128xf32, #tpu.memory_space<hbm>> -> memref<1x128xf32, #tpu.memory_space<hbm>>
        %dma_wait3A_403 = arith.constant 0 : i32
        %dma_wait3A_404 = tpu.memref_slice %arg4[%select_n3A_255, %dma_wait3A_403] : memref<2x128xf32, #tpu.memory_space<hbm>> -> memref<1x128xf32, #tpu.memory_space<hbm>>
        tpu.wait_dma2 semaphore(%run_scoped3A : memref<!tpu.dma_semaphore, #tpu.memory_space<semaphore_mem>>) src(%dma_wait3A_404 : memref<1x128xf32, #tpu.memory_space<hbm>>) dst(%arg16 : memref<1x128xf32, #tpu.memory_space<vmem>>)
        tpu.yield
      }) : () -> ()
      %get3A = arith.constant 0 : i32
      %get3A_256 = arith.index_cast %get3A : i32 to index
      %get3A_257 = arith.constant 0 : index
      %get3A_258 = tpu.vector_load %arg15[%get3A_256, %get3A_257] {strides = array<i32>} : memref<1x128xf32, #tpu.memory_space<vmem>>, vector<1x16xf32>,
      %get3A_259 = vector.shape_cast %get3A_258 : vector<1x16xf32> to vector<16xf32>
      %get3A_260 = arith.constant 0 : i32
      %get3A_261 = arith.index_cast %get3A_260 : i32 to index
      %get3A_262 = arith.constant 0 : index
      %get3A_263 = tpu.vector_load %arg16[%get3A_261, %get3A_262] {strides = array<i32>} : memref<1x128xf32, #tpu.memory_space<vmem>>, vector<1x16xf32>,
      %get3A_264 = vector.shape_cast %get3A_263 : vector<1x16xf32> to vector<16xf32>
      %add3A_265 = arith.addf %get3A_259, %get3A_264 : vector<16xf32>
      %swap3A = arith.constant 0 : i32
      %swap3A_266 = arith.index_cast %swap3A : i32 to index
      %swap3A_267 = arith.constant 0 : index
      %swap3A_268 = tpu.vector_load %arg15[%swap3A_266, %swap3A_267] {strides = array<i32>} : memref<1x128xf32, #tpu.memory_space<vmem>>, vector<1x16xf32>,
      %swap3A_269 = vector.shape_cast %swap3A_268 : vector<1x16xf32> to vector<16xf32>
      %swap3A_270 = vector.shape_cast %add3A_265 : vector<16xf32> to vector<1x16xf32>
      tpu.vector_store %arg15[%swap3A_266, %swap3A_267], %swap3A_270 {strides = array<i32>} : memref<1x128xf32, #tpu.memory_space<vmem>>, vector<1x16xf32>,
      %get3A_271 = arith.constant 0 : i32
      %get3A_272 = arith.index_cast %get3A_271 : i32 to index
      %get3A_273 = arith.constant 16 : index
      %get3A_274 = tpu.vector_load %arg15[%get3A_272, %get3A_273] {strides = array<i32>} : memref<1x128xf32, #tpu.memory_space<vmem>>, vector<1x16xf32>,
      %get3A_275 = vector.shape_cast %get3A_274 : vector<1x16xf32> to vector<16xf32>
      %get3A_276 = arith.constant 0 : i32
      %get3A_277 = arith.index_cast %get3A_276 : i32 to index
      %get3A_278 = arith.constant 16 : index
      %get3A_279 = tpu.vector_load %arg16[%get3A_277, %get3A_278] {strides = array<i32>} : memref<1x128xf32, #tpu.memory_space<vmem>>, vector<1x16xf32>,
      %get3A_280 = vector.shape_cast %get3A_279 : vector<1x16xf32> to vector<16xf32>
      %add3A_281 = arith.addf %get3A_275, %get3A_280 : vector<16xf32>
      %swap3A_282 = arith.constant 0 : i32
      %swap3A_283 = arith.index_cast %swap3A_282 : i32 to index
      %swap3A_284 = arith.constant 16 : index
      %swap3A_285 = tpu.vector_load %arg15[%swap3A_283, %swap3A_284] {strides = array<i32>} : memref<1x128xf32, #tpu.memory_space<vmem>>, vector<1x16xf32>,
      %swap3A_286 = vector.shape_cast %swap3A_285 : vector<1x16xf32> to vector<16xf32>
      %swap3A_287 = vector.shape_cast %add3A_281 : vector<16xf32> to vector<1x16xf32>
      tpu.vector_store %arg15[%swap3A_283, %swap3A_284], %swap3A_287 {strides = array<i32>} : memref<1x128xf32, #tpu.memory_space<vmem>>, vector<1x16xf32>,
      %get3A_288 = arith.constant 0 : i32
      %get3A_289 = arith.index_cast %get3A_288 : i32 to index
      %get3A_290 = arith.constant 32 : index
      %get3A_291 = tpu.vector_load %arg15[%get3A_289, %get3A_290] {strides = array<i32>} : memref<1x128xf32, #tpu.memory_space<vmem>>, vector<1x16xf32>,
      %get3A_292 = vector.shape_cast %get3A_291 : vector<1x16xf32> to vector<16xf32>
      %get3A_293 = arith.constant 0 : i32
      %get3A_294 = arith.index_cast %get3A_293 : i32 to index
      %get3A_295 = arith.constant 32 : index
      %get3A_296 = tpu.vector_load %arg16[%get3A_294, %get3A_295] {strides = array<i32>} : memref<1x128xf32, #tpu.memory_space<vmem>>, vector<1x16xf32>,
      %get3A_297 = vector.shape_cast %get3A_296 : vector<1x16xf32> to vector<16xf32>
      %add3A_298 = arith.addf %get3A_292, %get3A_297 : vector<16xf32>
      %swap3A_299 = arith.constant 0 : i32
      %swap3A_300 = arith.index_cast %swap3A_299 : i32 to index
      %swap3A_301 = arith.constant 32 : index
      %swap3A_302 = tpu.vector_load %arg15[%swap3A_300, %swap3A_301] {strides = array<i32>} : memref<1x128xf32, #tpu.memory_space<vmem>>, vector<1x16xf32>,
      %swap3A_303 = vector.shape_cast %swap3A_302 : vector<1x16xf32> to vector<16xf32>
      %swap3A_304 = vector.shape_cast %add3A_298 : vector<16xf32> to vector<1x16xf32>
      tpu.vector_store %arg15[%swap3A_300, %swap3A_301], %swap3A_304 {strides = array<i32>} : memref<1x128xf32, #tpu.memory_space<vmem>>, vector<1x16xf32>,
      %get3A_305 = arith.constant 0 : i32
      %get3A_306 = arith.index_cast %get3A_305 : i32 to index
      %get3A_307 = arith.constant 48 : index
      %get3A_308 = tpu.vector_load %arg15[%get3A_306, %get3A_307] {strides = array<i32>} : memref<1x128xf32, #tpu.memory_space<vmem>>, vector<1x16xf32>,
      %get3A_309 = vector.shape_cast %get3A_308 : vector<1x16xf32> to vector<16xf32>
      %get3A_310 = arith.constant 0 : i32
      %get3A_311 = arith.index_cast %get3A_310 : i32 to index
      %get3A_312 = arith.constant 48 : index
      %get3A_313 = tpu.vector_load %arg16[%get3A_311, %get3A_312] {strides = array<i32>} : memref<1x128xf32, #tpu.memory_space<vmem>>, vector<1x16xf32>,
      %get3A_314 = vector.shape_cast %get3A_313 : vector<1x16xf32> to vector<16xf32>
      %add3A_315 = arith.addf %get3A_309, %get3A_314 : vector<16xf32>
      %swap3A_316 = arith.constant 0 : i32
      %swap3A_317 = arith.index_cast %swap3A_316 : i32 to index
      %swap3A_318 = arith.constant 48 : index
      %swap3A_319 = tpu.vector_load %arg15[%swap3A_317, %swap3A_318] {strides = array<i32>} : memref<1x128xf32, #tpu.memory_space<vmem>>, vector<1x16xf32>,
      %swap3A_320 = vector.shape_cast %swap3A_319 : vector<1x16xf32> to vector<16xf32>
      %swap3A_321 = vector.shape_cast %add3A_315 : vector<16xf32> to vector<1x16xf32>
      tpu.vector_store %arg15[%swap3A_317, %swap3A_318], %swap3A_321 {strides = array<i32>} : memref<1x128xf32, #tpu.memory_space<vmem>>, vector<1x16xf32>,
      %get3A_322 = arith.constant 0 : i32
      %get3A_323 = arith.index_cast %get3A_322 : i32 to index
      %get3A_324 = arith.constant 64 : index
      %get3A_325 = tpu.vector_load %arg15[%get3A_323, %get3A_324] {strides = array<i32>} : memref<1x128xf32, #tpu.memory_space<vmem>>, vector<1x16xf32>,
      %get3A_326 = vector.shape_cast %get3A_325 : vector<1x16xf32> to vector<16xf32>
      %get3A_327 = arith.constant 0 : i32
      %get3A_328 = arith.index_cast %get3A_327 : i32 to index
      %get3A_329 = arith.constant 64 : index
      %get3A_330 = tpu.vector_load %arg16[%get3A_328, %get3A_329] {strides = array<i32>} : memref<1x128xf32, #tpu.memory_space<vmem>>, vector<1x16xf32>,
      %get3A_331 = vector.shape_cast %get3A_330 : vector<1x16xf32> to vector<16xf32>
      %add3A_332 = arith.addf %get3A_326, %get3A_331 : vector<16xf32>
      %swap3A_333 = arith.constant 0 : i32
      %swap3A_334 = arith.index_cast %swap3A_333 : i32 to index
      %swap3A_335 = arith.constant 64 : index
      %swap3A_336 = tpu.vector_load %arg15[%swap3A_334, %swap3A_335] {strides = array<i32>} : memref<1x128xf32, #tpu.memory_space<vmem>>, vector<1x16xf32>,
      %swap3A_337 = vector.shape_cast %swap3A_336 : vector<1x16xf32> to vector<16xf32>
      %swap3A_338 = vector.shape_cast %add3A_332 : vector<16xf32> to vector<1x16xf32>
      tpu.vector_store %arg15[%swap3A_334, %swap3A_335], %swap3A_338 {strides = array<i32>} : memref<1x128xf32, #tpu.memory_space<vmem>>, vector<1x16xf32>,
      %get3A_339 = arith.constant 0 : i32
      %get3A_340 = arith.index_cast %get3A_339 : i32 to index
      %get3A_341 = arith.constant 80 : index
      %get3A_342 = tpu.vector_load %arg15[%get3A_340, %get3A_341] {strides = array<i32>} : memref<1x128xf32, #tpu.memory_space<vmem>>, vector<1x16xf32>,
      %get3A_343 = vector.shape_cast %get3A_342 : vector<1x16xf32> to vector<16xf32>
      %get3A_344 = arith.constant 0 : i32
      %get3A_345 = arith.index_cast %get3A_344 : i32 to index
      %get3A_346 = arith.constant 80 : index
      %get3A_347 = tpu.vector_load %arg16[%get3A_345, %get3A_346] {strides = array<i32>} : memref<1x128xf32, #tpu.memory_space<vmem>>, vector<1x16xf32>,
      %get3A_348 = vector.shape_cast %get3A_347 : vector<1x16xf32> to vector<16xf32>
      %add3A_349 = arith.addf %get3A_343, %get3A_348 : vector<16xf32>
      %swap3A_350 = arith.constant 0 : i32
      %swap3A_351 = arith.index_cast %swap3A_350 : i32 to index
      %swap3A_352 = arith.constant 80 : index
      %swap3A_353 = tpu.vector_load %arg15[%swap3A_351, %swap3A_352] {strides = array<i32>} : memref<1x128xf32, #tpu.memory_space<vmem>>, vector<1x16xf32>,
      %swap3A_354 = vector.shape_cast %swap3A_353 : vector<1x16xf32> to vector<16xf32>
      %swap3A_355 = vector.shape_cast %add3A_349 : vector<16xf32> to vector<1x16xf32>
      tpu.vector_store %arg15[%swap3A_351, %swap3A_352], %swap3A_355 {strides = array<i32>} : memref<1x128xf32, #tpu.memory_space<vmem>>, vector<1x16xf32>,
      %get3A_356 = arith.constant 0 : i32
      %get3A_357 = arith.index_cast %get3A_356 : i32 to index
      %get3A_358 = arith.constant 96 : index
      %get3A_359 = tpu.vector_load %arg15[%get3A_357, %get3A_358] {strides = array<i32>} : memref<1x128xf32, #tpu.memory_space<vmem>>, vector<1x16xf32>,
      %get3A_360 = vector.shape_cast %get3A_359 : vector<1x16xf32> to vector<16xf32>
      %get3A_361 = arith.constant 0 : i32
      %get3A_362 = arith.index_cast %get3A_361 : i32 to index
      %get3A_363 = arith.constant 96 : index
      %get3A_364 = tpu.vector_load %arg16[%get3A_362, %get3A_363] {strides = array<i32>} : memref<1x128xf32, #tpu.memory_space<vmem>>, vector<1x16xf32>,
      %get3A_365 = vector.shape_cast %get3A_364 : vector<1x16xf32> to vector<16xf32>
      %add3A_366 = arith.addf %get3A_360, %get3A_365 : vector<16xf32>
      %swap3A_367 = arith.constant 0 : i32
      %swap3A_368 = arith.index_cast %swap3A_367 : i32 to index
      %swap3A_369 = arith.constant 96 : index
      %swap3A_370 = tpu.vector_load %arg15[%swap3A_368, %swap3A_369] {strides = array<i32>} : memref<1x128xf32, #tpu.memory_space<vmem>>, vector<1x16xf32>,
      %swap3A_371 = vector.shape_cast %swap3A_370 : vector<1x16xf32> to vector<16xf32>
      %swap3A_372 = vector.shape_cast %add3A_366 : vector<16xf32> to vector<1x16xf32>
      tpu.vector_store %arg15[%swap3A_368, %swap3A_369], %swap3A_372 {strides = array<i32>} : memref<1x128xf32, #tpu.memory_space<vmem>>, vector<1x16xf32>,
      %get3A_373 = arith.constant 0 : i32
      %get3A_374 = arith.index_cast %get3A_373 : i32 to index
      %get3A_375 = arith.constant 112 : index
      %get3A_376 = tpu.vector_load %arg15[%get3A_374, %get3A_375] {strides = array<i32>} : memref<1x128xf32, #tpu.memory_space<vmem>>, vector<1x16xf32>,
      %get3A_377 = vector.shape_cast %get3A_376 : vector<1x16xf32> to vector<16xf32>
      %get3A_378 = arith.constant 0 : i32
      %get3A_379 = arith.index_cast %get3A_378 : i32 to index
      %get3A_380 = arith.constant 112 : index
      %get3A_381 = tpu.vector_load %arg16[%get3A_379, %get3A_380] {strides = array<i32>} : memref<1x128xf32, #tpu.memory_space<vmem>>, vector<1x16xf32>,
      %get3A_382 = vector.shape_cast %get3A_381 : vector<1x16xf32> to vector<16xf32>
      %add3A_383 = arith.addf %get3A_377, %get3A_382 : vector<16xf32>
      %swap3A_384 = arith.constant 0 : i32
      %swap3A_385 = arith.index_cast %swap3A_384 : i32 to index
      %swap3A_386 = arith.constant 112 : index
      %swap3A_387 = tpu.vector_load %arg15[%swap3A_385, %swap3A_386] {strides = array<i32>} : memref<1x128xf32, #tpu.memory_space<vmem>>, vector<1x16xf32>,
      %swap3A_388 = vector.shape_cast %swap3A_387 : vector<1x16xf32> to vector<16xf32>
      %swap3A_389 = vector.shape_cast %add3A_383 : vector<16xf32> to vector<1x16xf32>
      tpu.vector_store %arg15[%swap3A_385, %swap3A_386], %swap3A_389 {strides = array<i32>} : memref<1x128xf32, #tpu.memory_space<vmem>>, vector<1x16xf32>,
      %scan3A_390 = arith.constant 0 : i32
      %scan3A_391 = arith.constant 64 : i32
      %scan3A_392 = arith.addi %scan3A_390, %scan3A_391 : i32
      %scan3A_393 = arith.constant 1 : i32
      scf.for %scan3A_397 = %scan3A_390 to %scan3A_392 step %scan3A_393  : i32 {
        %get3A_398 = arith.index_cast %scan3A_397 : i32 to index
        %get3A_399 = arith.constant 0 : index
        %get3A_400 = tpu.vector_load %arg14[%get3A_398, %get3A_399] {strides = array<i32>} : memref<64x128xf32, #tpu.memory_space<vmem>>, vector<1x16xf32>,
        %get3A_401 = vector.shape_cast %get3A_400 : vector<1x16xf32> to vector<16xf32>
        %get3A_402 = arith.constant 0 : i32
        %get3A_403 = arith.index_cast %get3A_402 : i32 to index
        %get3A_404 = arith.constant 0 : index
        %get3A_405 = tpu.vector_load %arg15[%get3A_403, %get3A_404] {strides = array<i32>} : memref<1x128xf32, #tpu.memory_space<vmem>>, vector<1x16xf32>,
        %get3A_406 = vector.shape_cast %get3A_405 : vector<1x16xf32> to vector<16xf32>
        %add3A_407 = arith.addf %get3A_401, %get3A_406 : vector<16xf32>
        %swap3A_408 = arith.index_cast %scan3A_397 : i32 to index
        %swap3A_409 = arith.constant 0 : index
        %swap3A_410 = tpu.vector_load %arg14[%swap3A_408, %swap3A_409] {strides = array<i32>} : memref<64x128xf32, #tpu.memory_space<vmem>>, vector<1x16xf32>,
        %swap3A_411 = vector.shape_cast %swap3A_410 : vector<1x16xf32> to vector<16xf32>
        %swap3A_412 = vector.shape_cast %add3A_407 : vector<16xf32> to vector<1x16xf32>
        tpu.vector_store %arg14[%swap3A_408, %swap3A_409], %swap3A_412 {strides = array<i32>} : memref<64x128xf32, #tpu.memory_space<vmem>>, vector<1x16xf32>,
        %get3A_413 = arith.index_cast %scan3A_397 : i32 to index
        %get3A_414 = arith.constant 16 : index
        %get3A_415 = tpu.vector_load %arg14[%get3A_413, %get3A_414] {strides = array<i32>} : memref<64x128xf32, #tpu.memory_space<vmem>>, vector<1x16xf32>,
        %get3A_416 = vector.shape_cast %get3A_415 : vector<1x16xf32> to vector<16xf32>
        %get3A_417 = arith.constant 0 : i32
        %get3A_418 = arith.index_cast %get3A_417 : i32 to index
        %get3A_419 = arith.constant 16 : index
        %get3A_420 = tpu.vector_load %arg15[%get3A_418, %get3A_419] {strides = array<i32>} : memref<1x128xf32, #tpu.memory_space<vmem>>, vector<1x16xf32>,
        %get3A_421 = vector.shape_cast %get3A_420 : vector<1x16xf32> to vector<16xf32>
        %add3A_422 = arith.addf %get3A_416, %get3A_421 : vector<16xf32>
        %swap3A_423 = arith.index_cast %scan3A_397 : i32 to index
        %swap3A_424 = arith.constant 16 : index
        %swap3A_425 = tpu.vector_load %arg14[%swap3A_423, %swap3A_424] {strides = array<i32>} : memref<64x128xf32, #tpu.memory_space<vmem>>, vector<1x16xf32>,
        %swap3A_426 = vector.shape_cast %swap3A_425 : vector<1x16xf32> to vector<16xf32>
        %swap3A_427 = vector.shape_cast %add3A_422 : vector<16xf32> to vector<1x16xf32>
        tpu.vector_store %arg14[%swap3A_423, %swap3A_424], %swap3A_427 {strides = array<i32>} : memref<64x128xf32, #tpu.memory_space<vmem>>, vector<1x16xf32>,
        %get3A_428 = arith.index_cast %scan3A_397 : i32 to index
        %get3A_429 = arith.constant 32 : index
        %get3A_430 = tpu.vector_load %arg14[%get3A_428, %get3A_429] {strides = array<i32>} : memref<64x128xf32, #tpu.memory_space<vmem>>, vector<1x16xf32>,
        %get3A_431 = vector.shape_cast %get3A_430 : vector<1x16xf32> to vector<16xf32>
        %get3A_432 = arith.constant 0 : i32
        %get3A_433 = arith.index_cast %get3A_432 : i32 to index
        %get3A_434 = arith.constant 32 : index
        %get3A_435 = tpu.vector_load %arg15[%get3A_433, %get3A_434] {strides = array<i32>} : memref<1x128xf32, #tpu.memory_space<vmem>>, vector<1x16xf32>,
        %get3A_436 = vector.shape_cast %get3A_435 : vector<1x16xf32> to vector<16xf32>
        %add3A_437 = arith.addf %get3A_431, %get3A_436 : vector<16xf32>
        %swap3A_438 = arith.index_cast %scan3A_397 : i32 to index
        %swap3A_439 = arith.constant 32 : index
        %swap3A_440 = tpu.vector_load %arg14[%swap3A_438, %swap3A_439] {strides = array<i32>} : memref<64x128xf32, #tpu.memory_space<vmem>>, vector<1x16xf32>,
        %swap3A_441 = vector.shape_cast %swap3A_440 : vector<1x16xf32> to vector<16xf32>
        %swap3A_442 = vector.shape_cast %add3A_437 : vector<16xf32> to vector<1x16xf32>
        tpu.vector_store %arg14[%swap3A_438, %swap3A_439], %swap3A_442 {strides = array<i32>} : memref<64x128xf32, #tpu.memory_space<vmem>>, vector<1x16xf32>,
        %get3A_443 = arith.index_cast %scan3A_397 : i32 to index
        %get3A_444 = arith.constant 48 : index
        %get3A_445 = tpu.vector_load %arg14[%get3A_443, %get3A_444] {strides = array<i32>} : memref<64x128xf32, #tpu.memory_space<vmem>>, vector<1x16xf32>,
        %get3A_446 = vector.shape_cast %get3A_445 : vector<1x16xf32> to vector<16xf32>
        %get3A_447 = arith.constant 0 : i32
        %get3A_448 = arith.index_cast %get3A_447 : i32 to index
        %get3A_449 = arith.constant 48 : index
        %get3A_450 = tpu.vector_load %arg15[%get3A_448, %get3A_449] {strides = array<i32>} : memref<1x128xf32, #tpu.memory_space<vmem>>, vector<1x16xf32>,
        %get3A_451 = vector.shape_cast %get3A_450 : vector<1x16xf32> to vector<16xf32>
        %add3A_452 = arith.addf %get3A_446, %get3A_451 : vector<16xf32>
        %swap3A_453 = arith.index_cast %scan3A_397 : i32 to index
        %swap3A_454 = arith.constant 48 : index
        %swap3A_455 = tpu.vector_load %arg14[%swap3A_453, %swap3A_454] {strides = array<i32>} : memref<64x128xf32, #tpu.memory_space<vmem>>, vector<1x16xf32>,
        %swap3A_456 = vector.shape_cast %swap3A_455 : vector<1x16xf32> to vector<16xf32>
        %swap3A_457 = vector.shape_cast %add3A_452 : vector<16xf32> to vector<1x16xf32>
        tpu.vector_store %arg14[%swap3A_453, %swap3A_454], %swap3A_457 {strides = array<i32>} : memref<64x128xf32, #tpu.memory_space<vmem>>, vector<1x16xf32>,
        %get3A_458 = arith.index_cast %scan3A_397 : i32 to index
        %get3A_459 = arith.constant 64 : index
        %get3A_460 = tpu.vector_load %arg14[%get3A_458, %get3A_459] {strides = array<i32>} : memref<64x128xf32, #tpu.memory_space<vmem>>, vector<1x16xf32>,
        %get3A_461 = vector.shape_cast %get3A_460 : vector<1x16xf32> to vector<16xf32>
        %get3A_462 = arith.constant 0 : i32
        %get3A_463 = arith.index_cast %get3A_462 : i32 to index
        %get3A_464 = arith.constant 64 : index
        %get3A_465 = tpu.vector_load %arg15[%get3A_463, %get3A_464] {strides = array<i32>} : memref<1x128xf32, #tpu.memory_space<vmem>>, vector<1x16xf32>,
        %get3A_466 = vector.shape_cast %get3A_465 : vector<1x16xf32> to vector<16xf32>
        %add3A_467 = arith.addf %get3A_461, %get3A_466 : vector<16xf32>
        %swap3A_468 = arith.index_cast %scan3A_397 : i32 to index
        %swap3A_469 = arith.constant 64 : index
        %swap3A_470 = tpu.vector_load %arg14[%swap3A_468, %swap3A_469] {strides = array<i32>} : memref<64x128xf32, #tpu.memory_space<vmem>>, vector<1x16xf32>,
        %swap3A_471 = vector.shape_cast %swap3A_470 : vector<1x16xf32> to vector<16xf32>
        %swap3A_472 = vector.shape_cast %add3A_467 : vector<16xf32> to vector<1x16xf32>
        tpu.vector_store %arg14[%swap3A_468, %swap3A_469], %swap3A_472 {strides = array<i32>} : memref<64x128xf32, #tpu.memory_space<vmem>>, vector<1x16xf32>,
        %get3A_473 = arith.index_cast %scan3A_397 : i32 to index
        %get3A_474 = arith.constant 80 : index
        %get3A_475 = tpu.vector_load %arg14[%get3A_473, %get3A_474] {strides = array<i32>} : memref<64x128xf32, #tpu.memory_space<vmem>>, vector<1x16xf32>,
        %get3A_476 = vector.shape_cast %get3A_475 : vector<1x16xf32> to vector<16xf32>
        %get3A_477 = arith.constant 0 : i32
        %get3A_478 = arith.index_cast %get3A_477 : i32 to index
        %get3A_479 = arith.constant 80 : index
        %get3A_480 = tpu.vector_load %arg15[%get3A_478, %get3A_479] {strides = array<i32>} : memref<1x128xf32, #tpu.memory_space<vmem>>, vector<1x16xf32>,
        %get3A_481 = vector.shape_cast %get3A_480 : vector<1x16xf32> to vector<16xf32>
        %add3A_482 = arith.addf %get3A_476, %get3A_481 : vector<16xf32>
        %swap3A_483 = arith.index_cast %scan3A_397 : i32 to index
        %swap3A_484 = arith.constant 80 : index
        %swap3A_485 = tpu.vector_load %arg14[%swap3A_483, %swap3A_484] {strides = array<i32>} : memref<64x128xf32, #tpu.memory_space<vmem>>, vector<1x16xf32>,
        %swap3A_486 = vector.shape_cast %swap3A_485 : vector<1x16xf32> to vector<16xf32>
        %swap3A_487 = vector.shape_cast %add3A_482 : vector<16xf32> to vector<1x16xf32>
        tpu.vector_store %arg14[%swap3A_483, %swap3A_484], %swap3A_487 {strides = array<i32>} : memref<64x128xf32, #tpu.memory_space<vmem>>, vector<1x16xf32>,
        %get3A_488 = arith.index_cast %scan3A_397 : i32 to index
        %get3A_489 = arith.constant 96 : index
        %get3A_490 = tpu.vector_load %arg14[%get3A_488, %get3A_489] {strides = array<i32>} : memref<64x128xf32, #tpu.memory_space<vmem>>, vector<1x16xf32>,
        %get3A_491 = vector.shape_cast %get3A_490 : vector<1x16xf32> to vector<16xf32>
        %get3A_492 = arith.constant 0 : i32
        %get3A_493 = arith.index_cast %get3A_492 : i32 to index
        %get3A_494 = arith.constant 96 : index
        %get3A_495 = tpu.vector_load %arg15[%get3A_493, %get3A_494] {strides = array<i32>} : memref<1x128xf32, #tpu.memory_space<vmem>>, vector<1x16xf32>,
        %get3A_496 = vector.shape_cast %get3A_495 : vector<1x16xf32> to vector<16xf32>
        %add3A_497 = arith.addf %get3A_491, %get3A_496 : vector<16xf32>
        %swap3A_498 = arith.index_cast %scan3A_397 : i32 to index
        %swap3A_499 = arith.constant 96 : index
        %swap3A_500 = tpu.vector_load %arg14[%swap3A_498, %swap3A_499] {strides = array<i32>} : memref<64x128xf32, #tpu.memory_space<vmem>>, vector<1x16xf32>,
        %swap3A_501 = vector.shape_cast %swap3A_500 : vector<1x16xf32> to vector<16xf32>
        %swap3A_502 = vector.shape_cast %add3A_497 : vector<16xf32> to vector<1x16xf32>
        tpu.vector_store %arg14[%swap3A_498, %swap3A_499], %swap3A_502 {strides = array<i32>} : memref<64x128xf32, #tpu.memory_space<vmem>>, vector<1x16xf32>,
        %get3A_503 = arith.index_cast %scan3A_397 : i32 to index
        %get3A_504 = arith.constant 112 : index
        %get3A_505 = tpu.vector_load %arg14[%get3A_503, %get3A_504] {strides = array<i32>} : memref<64x128xf32, #tpu.memory_space<vmem>>, vector<1x16xf32>,
        %get3A_506 = vector.shape_cast %get3A_505 : vector<1x16xf32> to vector<16xf32>
        %get3A_507 = arith.constant 0 : i32
        %get3A_508 = arith.index_cast %get3A_507 : i32 to index
        %get3A_509 = arith.constant 112 : index
        %get3A_510 = tpu.vector_load %arg15[%get3A_508, %get3A_509] {strides = array<i32>} : memref<1x128xf32, #tpu.memory_space<vmem>>, vector<1x16xf32>,
        %get3A_511 = vector.shape_cast %get3A_510 : vector<1x16xf32> to vector<16xf32>
        %add3A_512 = arith.addf %get3A_506, %get3A_511 : vector<16xf32>
        %swap3A_513 = arith.index_cast %scan3A_397 : i32 to index
        %swap3A_514 = arith.constant 112 : index
        %swap3A_515 = tpu.vector_load %arg14[%swap3A_513, %swap3A_514] {strides = array<i32>} : memref<64x128xf32, #tpu.memory_space<vmem>>, vector<1x16xf32>,
        %swap3A_516 = vector.shape_cast %swap3A_515 : vector<1x16xf32> to vector<16xf32>
        %swap3A_517 = vector.shape_cast %add3A_512 : vector<16xf32> to vector<1x16xf32>
        tpu.vector_store %arg14[%swap3A_513, %swap3A_514], %swap3A_517 {strides = array<i32>} : memref<64x128xf32, #tpu.memory_space<vmem>>, vector<1x16xf32>,
      }
      %scan3A_394 = arith.constant 64 : i32
      %mul3A_395 = arith.constant 64 : i32
      %mul3A_396 = arith.muli %arg1, %mul3A_395 : i32
      "tpu.region"() ({
        %run_scoped3A = tpu.sem_alloc : memref<!tpu.dma_semaphore, #tpu.memory_space<semaphore_mem>>
        %dma_start3A_397 = arith.constant 0 : i32
        %dma_start3A_398 = tpu.memref_slice %arg7[%mul3A_396, %dma_start3A_397] : memref<768x128xf32, #tpu.memory_space<vmem_shared>> -> memref<64x128xf32, #tpu.memory_space<vmem_shared>>
        %dma_start3A_399 = arith.constant 0 : i32
        %dma_start3A_400 = tpu.memref_slice %arg7[%mul3A_396, %dma_start3A_399] : memref<768x128xf32, #tpu.memory_space<vmem_shared>> -> memref<64x128xf32, #tpu.memory_space<vmem_shared>>
        tpu.enqueue_dma source(%arg14 : memref<64x128xf32, #tpu.memory_space<vmem>>) target(%dma_start3A_400 : memref<64x128xf32, #tpu.memory_space<vmem_shared>>) target_semaphore(%run_scoped3A : memref<!tpu.dma_semaphore, #tpu.memory_space<semaphore_mem>>)
        %dma_wait3A_401 = arith.constant 0 : i32
        %dma_wait3A_402 = tpu.memref_slice %arg7[%mul3A_396, %dma_wait3A_401] : memref<768x128xf32, #tpu.memory_space<vmem_shared>> -> memref<64x128xf32, #tpu.memory_space<vmem_shared>>
        %dma_wait3A_403 = arith.constant 0 : i32
        %dma_wait3A_404 = tpu.memref_slice %arg7[%mul3A_396, %dma_wait3A_403] : memref<768x128xf32, #tpu.memory_space<vmem_shared>> -> memref<64x128xf32, #tpu.memory_space<vmem_shared>>
        tpu.wait_dma2 semaphore(%run_scoped3A : memref<!tpu.dma_semaphore, #tpu.memory_space<semaphore_mem>>) src(%arg14 : memref<64x128xf32, #tpu.memory_space<vmem>>) dst(%dma_wait3A_404 : memref<64x128xf32, #tpu.memory_space<vmem_shared>>)
        tpu.yield
      }) : () -> ()
    } else {
    }
    %dma_wait3A = arith.constant 0 : i32
    %dma_wait3A_10 = tpu.memref_slice %arg5[%mul3A_4, %dma_wait3A] : memref<4096x128xi32, #tpu.memory_space<hbm>> -> memref<128x128xi32, #tpu.memory_space<hbm>>
    %dma_wait3A_11 = arith.constant 0 : i32
    %dma_wait3A_12 = tpu.memref_slice %arg5[%mul3A_4, %dma_wait3A_11] : memref<4096x128xi32, #tpu.memory_space<hbm>> -> memref<128x128xi32, #tpu.memory_space<hbm>>
    tpu.wait_dma2 semaphore(%arg17 : memref<!tpu.dma_semaphore, #tpu.memory_space<semaphore_mem>>) src(%dma_wait3A_12 : memref<128x128xi32, #tpu.memory_space<hbm>>) dst(%arg8 : memref<128x128xi32, #tpu.memory_space<vmem>>)
    %barrier3A = arith.constant 0 : index
    tpu.barrier barrier_id(%barrier3A)
    %dma_start3A_13 = arith.constant 0 : i32
    %dma_start3A_14 = arith.constant 0 : i32
    %dma_start3A_15 = tpu.memref_slice %arg8[%dma_start3A_13, %dma_start3A_14] : memref<128x128xi32, #tpu.memory_space<vmem>> -> memref<1x128xi32, #tpu.memory_space<vmem>>
    %dma_start3A_16 = tpu.memref_squeeze %dma_start3A_15 : memref<1x128xi32, #tpu.memory_space<vmem>> -> memref<128xi32, #tpu.memory_space<vmem>>
    %dma_start3A_17 = arith.constant 0 : i32
    %dma_start3A_18 = arith.constant 0 : i32
    %dma_start3A_19 = tpu.memref_slice %arg7[%dma_start3A_17, %dma_start3A_18] : memref<768x128xf32, #tpu.memory_space<vmem_shared>> -> memref<768x128xf32, #tpu.memory_space<vmem_shared>>
    tpu.enqueue_indirect_dma source(%dma_start3A_19 : memref<768x128xf32, #tpu.memory_space<vmem_shared>>) target(%arg9 : memref<128x128xf32, #tpu.memory_space<vmem>>) offsets(%dma_start3A_16 : memref<128xi32, #tpu.memory_space<vmem>>) semaphore(%arg17 : memref<!tpu.dma_semaphore, #tpu.memory_space<semaphore_mem>>)
    %dma_start3A_20 = arith.constant 1 : i32
    %dma_start3A_21 = arith.constant 0 : i32
    %dma_start3A_22 = tpu.memref_slice %arg8[%dma_start3A_20, %dma_start3A_21] : memref<128x128xi32, #tpu.memory_space<vmem>> -> memref<1x128xi32, #tpu.memory_space<vmem>>
    %dma_start3A_23 = tpu.memref_squeeze %dma_start3A_22 : memref<1x128xi32, #tpu.memory_space<vmem>> -> memref<128xi32, #tpu.memory_space<vmem>>
    %dma_start3A_24 = arith.constant 0 : i32
    %dma_start3A_25 = arith.constant 0 : i32
    %dma_start3A_26 = tpu.memref_slice %arg7[%dma_start3A_24, %dma_start3A_25] : memref<768x128xf32, #tpu.memory_space<vmem_shared>> -> memref<768x128xf32, #tpu.memory_space<vmem_shared>>
    tpu.enqueue_indirect_dma source(%dma_start3A_26 : memref<768x128xf32, #tpu.memory_space<vmem_shared>>) target(%arg10 : memref<128x128xf32, #tpu.memory_space<vmem>>) offsets(%dma_start3A_23 : memref<128xi32, #tpu.memory_space<vmem>>) semaphore(%arg18 : memref<!tpu.dma_semaphore, #tpu.memory_space<semaphore_mem>>)
    %dma_start3A_27 = arith.constant 2 : i32
    %dma_start3A_28 = arith.constant 0 : i32
    %dma_start3A_29 = tpu.memref_slice %arg8[%dma_start3A_27, %dma_start3A_28] : memref<128x128xi32, #tpu.memory_space<vmem>> -> memref<1x128xi32, #tpu.memory_space<vmem>>
    %dma_start3A_30 = tpu.memref_squeeze %dma_start3A_29 : memref<1x128xi32, #tpu.memory_space<vmem>> -> memref<128xi32, #tpu.memory_space<vmem>>
    %dma_start3A_31 = arith.constant 0 : i32
    %dma_start3A_32 = arith.constant 0 : i32
    %dma_start3A_33 = tpu.memref_slice %arg7[%dma_start3A_31, %dma_start3A_32] : memref<768x128xf32, #tpu.memory_space<vmem_shared>> -> memref<768x128xf32, #tpu.memory_space<vmem_shared>>
    tpu.enqueue_indirect_dma source(%dma_start3A_33 : memref<768x128xf32, #tpu.memory_space<vmem_shared>>) target(%arg11 : memref<128x128xf32, #tpu.memory_space<vmem>>) offsets(%dma_start3A_30 : memref<128xi32, #tpu.memory_space<vmem>>) semaphore(%arg19 : memref<!tpu.dma_semaphore, #tpu.memory_space<semaphore_mem>>)
    %dma_start3A_34 = arith.constant 3 : i32
    %dma_start3A_35 = arith.constant 0 : i32
    %dma_start3A_36 = tpu.memref_slice %arg8[%dma_start3A_34, %dma_start3A_35] : memref<128x128xi32, #tpu.memory_space<vmem>> -> memref<1x128xi32, #tpu.memory_space<vmem>>
    %dma_start3A_37 = tpu.memref_squeeze %dma_start3A_36 : memref<1x128xi32, #tpu.memory_space<vmem>> -> memref<128xi32, #tpu.memory_space<vmem>>
    %dma_start3A_38 = arith.constant 0 : i32
    %dma_start3A_39 = arith.constant 0 : i32
    %dma_start3A_40 = tpu.memref_slice %arg7[%dma_start3A_38, %dma_start3A_39] : memref<768x128xf32, #tpu.memory_space<vmem_shared>> -> memref<768x128xf32, #tpu.memory_space<vmem_shared>>
    tpu.enqueue_indirect_dma source(%dma_start3A_40 : memref<768x128xf32, #tpu.memory_space<vmem_shared>>) target(%arg12 : memref<128x128xf32, #tpu.memory_space<vmem>>) offsets(%dma_start3A_37 : memref<128xi32, #tpu.memory_space<vmem>>) semaphore(%arg20 : memref<!tpu.dma_semaphore, #tpu.memory_space<semaphore_mem>>)
    %dma_wait3A_41 = arith.constant 0 : i32
    %dma_wait3A_42 = arith.constant 0 : i32
    %dma_wait3A_43 = tpu.memref_slice %arg8[%dma_wait3A_41, %dma_wait3A_42] : memref<128x128xi32, #tpu.memory_space<vmem>> -> memref<1x128xi32, #tpu.memory_space<vmem>>
    %dma_wait3A_44 = tpu.memref_squeeze %dma_wait3A_43 : memref<1x128xi32, #tpu.memory_space<vmem>> -> memref<128xi32, #tpu.memory_space<vmem>>
    %dma_wait3A_45 = arith.constant 0 : i32
    %dma_wait3A_46 = arith.constant 0 : i32
    %dma_wait3A_47 = tpu.memref_slice %arg7[%dma_wait3A_45, %dma_wait3A_46] : memref<768x128xf32, #tpu.memory_space<vmem_shared>> -> memref<768x128xf32, #tpu.memory_space<vmem_shared>>
    tpu.wait_indirect_dma semaphore(%arg17 : memref<!tpu.dma_semaphore, #tpu.memory_space<semaphore_mem>>) src(%dma_wait3A_47 : memref<768x128xf32, #tpu.memory_space<vmem_shared>>) dst(%arg9 : memref<128x128xf32, #tpu.memory_space<vmem>>)
    %add3A_48 = arith.constant 0 : i32
    %add3A_49 = arith.addi %mul3A_2, %add3A_48 : i32
    %dma_start3A_50 = arith.constant 0 : i32
    %dma_start3A_51 = tpu.memref_slice %arg6[%add3A_49, %dma_start3A_50] : memref<524288x128xf32, #tpu.memory_space<hbm>> -> memref<128x128xf32, #tpu.memory_space<hbm>>
    %dma_start3A_52 = arith.constant 0 : i32
    %dma_start3A_53 = tpu.memref_slice %arg6[%add3A_49, %dma_start3A_52] : memref<524288x128xf32, #tpu.memory_space<hbm>> -> memref<128x128xf32, #tpu.memory_space<hbm>>
    tpu.enqueue_dma source(%arg9 : memref<128x128xf32, #tpu.memory_space<vmem>>) target(%dma_start3A_53 : memref<128x128xf32, #tpu.memory_space<hbm>>) target_semaphore(%arg22 : memref<!tpu.dma_semaphore, #tpu.memory_space<semaphore_mem>>)
    %dma_start3A_54 = arith.constant 4 : i32
    %dma_start3A_55 = arith.constant 0 : i32
    %dma_start3A_56 = tpu.memref_slice %arg8[%dma_start3A_54, %dma_start3A_55] : memref<128x128xi32, #tpu.memory_space<vmem>> -> memref<1x128xi32, #tpu.memory_space<vmem>>
    %dma_start3A_57 = tpu.memref_squeeze %dma_start3A_56 : memref<1x128xi32, #tpu.memory_space<vmem>> -> memref<128xi32, #tpu.memory_space<vmem>>
    %dma_start3A_58 = arith.constant 0 : i32
    %dma_start3A_59 = arith.constant 0 : i32
    %dma_start3A_60 = tpu.memref_slice %arg7[%dma_start3A_58, %dma_start3A_59] : memref<768x128xf32, #tpu.memory_space<vmem_shared>> -> memref<768x128xf32, #tpu.memory_space<vmem_shared>>
    tpu.enqueue_indirect_dma source(%dma_start3A_60 : memref<768x128xf32, #tpu.memory_space<vmem_shared>>) target(%arg13 : memref<128x128xf32, #tpu.memory_space<vmem>>) offsets(%dma_start3A_57 : memref<128xi32, #tpu.memory_space<vmem>>) semaphore(%arg21 : memref<!tpu.dma_semaphore, #tpu.memory_space<semaphore_mem>>)
    %dma_wait3A_61 = arith.constant 1 : i32
    %dma_wait3A_62 = arith.constant 0 : i32
    %dma_wait3A_63 = tpu.memref_slice %arg8[%dma_wait3A_61, %dma_wait3A_62] : memref<128x128xi32, #tpu.memory_space<vmem>> -> memref<1x128xi32, #tpu.memory_space<vmem>>
    %dma_wait3A_64 = tpu.memref_squeeze %dma_wait3A_63 : memref<1x128xi32, #tpu.memory_space<vmem>> -> memref<128xi32, #tpu.memory_space<vmem>>
    %dma_wait3A_65 = arith.constant 0 : i32
    %dma_wait3A_66 = arith.constant 0 : i32
    %dma_wait3A_67 = tpu.memref_slice %arg7[%dma_wait3A_65, %dma_wait3A_66] : memref<768x128xf32, #tpu.memory_space<vmem_shared>> -> memref<768x128xf32, #tpu.memory_space<vmem_shared>>
    tpu.wait_indirect_dma semaphore(%arg18 : memref<!tpu.dma_semaphore, #tpu.memory_space<semaphore_mem>>) src(%dma_wait3A_67 : memref<768x128xf32, #tpu.memory_space<vmem_shared>>) dst(%arg10 : memref<128x128xf32, #tpu.memory_space<vmem>>)
    %add3A_68 = arith.constant 128 : i32
    %add3A_69 = arith.addi %mul3A_2, %add3A_68 : i32
    %dma_start3A_70 = arith.constant 0 : i32
    %dma_start3A_71 = tpu.memref_slice %arg6[%add3A_69, %dma_start3A_70] : memref<524288x128xf32, #tpu.memory_space<hbm>> -> memref<128x128xf32, #tpu.memory_space<hbm>>
    %dma_start3A_72 = arith.constant 0 : i32
    %dma_start3A_73 = tpu.memref_slice %arg6[%add3A_69, %dma_start3A_72] : memref<524288x128xf32, #tpu.memory_space<hbm>> -> memref<128x128xf32, #tpu.memory_space<hbm>>
    tpu.enqueue_dma source(%arg10 : memref<128x128xf32, #tpu.memory_space<vmem>>) target(%dma_start3A_73 : memref<128x128xf32, #tpu.memory_space<hbm>>) target_semaphore(%arg23 : memref<!tpu.dma_semaphore, #tpu.memory_space<semaphore_mem>>)
    %add3A_74 = arith.constant 0 : i32
    %add3A_75 = arith.addi %mul3A_2, %add3A_74 : i32
    %dma_wait3A_76 = arith.constant 0 : i32
    %dma_wait3A_77 = tpu.memref_slice %arg6[%add3A_75, %dma_wait3A_76] : memref<524288x128xf32, #tpu.memory_space<hbm>> -> memref<128x128xf32, #tpu.memory_space<hbm>>
    %dma_wait3A_78 = arith.constant 0 : i32
    %dma_wait3A_79 = tpu.memref_slice %arg6[%add3A_75, %dma_wait3A_78] : memref<524288x128xf32, #tpu.memory_space<hbm>> -> memref<128x128xf32, #tpu.memory_space<hbm>>
    tpu.wait_dma2 semaphore(%arg22 : memref<!tpu.dma_semaphore, #tpu.memory_space<semaphore_mem>>) src(%arg9 : memref<128x128xf32, #tpu.memory_space<vmem>>) dst(%dma_wait3A_79 : memref<128x128xf32, #tpu.memory_space<hbm>>)
    %dma_start3A_80 = arith.constant 5 : i32
    %dma_start3A_81 = arith.constant 0 : i32
    %dma_start3A_82 = tpu.memref_slice %arg8[%dma_start3A_80, %dma_start3A_81] : memref<128x128xi32, #tpu.memory_space<vmem>> -> memref<1x128xi32, #tpu.memory_space<vmem>>
    %dma_start3A_83 = tpu.memref_squeeze %dma_start3A_82 : memref<1x128xi32, #tpu.memory_space<vmem>> -> memref<128xi32, #tpu.memory_space<vmem>>
    %dma_start3A_84 = arith.constant 0 : i32
    %dma_start3A_85 = arith.constant 0 : i32
    %dma_start3A_86 = tpu.memref_slice %arg7[%dma_start3A_84, %dma_start3A_85] : memref<768x128xf32, #tpu.memory_space<vmem_shared>> -> memref<768x128xf32, #tpu.memory_space<vmem_shared>>
    tpu.enqueue_indirect_dma source(%dma_start3A_86 : memref<768x128xf32, #tpu.memory_space<vmem_shared>>) target(%arg9 : memref<128x128xf32, #tpu.memory_space<vmem>>) offsets(%dma_start3A_83 : memref<128xi32, #tpu.memory_space<vmem>>) semaphore(%arg17 : memref<!tpu.dma_semaphore, #tpu.memory_space<semaphore_mem>>)
    %dma_wait3A_87 = arith.constant 2 : i32
    %dma_wait3A_88 = arith.constant 0 : i32
    %dma_wait3A_89 = tpu.memref_slice %arg8[%dma_wait3A_87, %dma_wait3A_88] : memref<128x128xi32, #tpu.memory_space<vmem>> -> memref<1x128xi32, #tpu.memory_space<vmem>>
    %dma_wait3A_90 = tpu.memref_squeeze %dma_wait3A_89 : memref<1x128xi32, #tpu.memory_space<vmem>> -> memref<128xi32, #tpu.memory_space<vmem>>
    %dma_wait3A_91 = arith.constant 0 : i32
    %dma_wait3A_92 = arith.constant 0 : i32
    %dma_wait3A_93 = tpu.memref_slice %arg7[%dma_wait3A_91, %dma_wait3A_92] : memref<768x128xf32, #tpu.memory_space<vmem_shared>> -> memref<768x128xf32, #tpu.memory_space<vmem_shared>>
    tpu.wait_indirect_dma semaphore(%arg19 : memref<!tpu.dma_semaphore, #tpu.memory_space<semaphore_mem>>) src(%dma_wait3A_93 : memref<768x128xf32, #tpu.memory_space<vmem_shared>>) dst(%arg11 : memref<128x128xf32, #tpu.memory_space<vmem>>)
    %add3A_94 = arith.constant 256 : i32
    %add3A_95 = arith.addi %mul3A_2, %add3A_94 : i32
    %dma_start3A_96 = arith.constant 0 : i32
    %dma_start3A_97 = tpu.memref_slice %arg6[%add3A_95, %dma_start3A_96] : memref<524288x128xf32, #tpu.memory_space<hbm>> -> memref<128x128xf32, #tpu.memory_space<hbm>>
    %dma_start3A_98 = arith.constant 0 : i32
    %dma_start3A_99 = tpu.memref_slice %arg6[%add3A_95, %dma_start3A_98] : memref<524288x128xf32, #tpu.memory_space<hbm>> -> memref<128x128xf32, #tpu.memory_space<hbm>>
    tpu.enqueue_dma source(%arg11 : memref<128x128xf32, #tpu.memory_space<vmem>>) target(%dma_start3A_99 : memref<128x128xf32, #tpu.memory_space<hbm>>) target_semaphore(%arg24 : memref<!tpu.dma_semaphore, #tpu.memory_space<semaphore_mem>>)
    %add3A_100 = arith.constant 128 : i32
    %add3A_101 = arith.addi %mul3A_2, %add3A_100 : i32
    %dma_wait3A_102 = arith.constant 0 : i32
    %dma_wait3A_103 = tpu.memref_slice %arg6[%add3A_101, %dma_wait3A_102] : memref<524288x128xf32, #tpu.memory_space<hbm>> -> memref<128x128xf32, #tpu.memory_space<hbm>>
    %dma_wait3A_104 = arith.constant 0 : i32
    %dma_wait3A_105 = tpu.memref_slice %arg6[%add3A_101, %dma_wait3A_104] : memref<524288x128xf32, #tpu.memory_space<hbm>> -> memref<128x128xf32, #tpu.memory_space<hbm>>
    tpu.wait_dma2 semaphore(%arg23 : memref<!tpu.dma_semaphore, #tpu.memory_space<semaphore_mem>>) src(%arg10 : memref<128x128xf32, #tpu.memory_space<vmem>>) dst(%dma_wait3A_105 : memref<128x128xf32, #tpu.memory_space<hbm>>)
    %dma_start3A_106 = arith.constant 6 : i32
    %dma_start3A_107 = arith.constant 0 : i32
    %dma_start3A_108 = tpu.memref_slice %arg8[%dma_start3A_106, %dma_start3A_107] : memref<128x128xi32, #tpu.memory_space<vmem>> -> memref<1x128xi32, #tpu.memory_space<vmem>>
    %dma_start3A_109 = tpu.memref_squeeze %dma_start3A_108 : memref<1x128xi32, #tpu.memory_space<vmem>> -> memref<128xi32, #tpu.memory_space<vmem>>
    %dma_start3A_110 = arith.constant 0 : i32
    %dma_start3A_111 = arith.constant 0 : i32
    %dma_start3A_112 = tpu.memref_slice %arg7[%dma_start3A_110, %dma_start3A_111] : memref<768x128xf32, #tpu.memory_space<vmem_shared>> -> memref<768x128xf32, #tpu.memory_space<vmem_shared>>
    tpu.enqueue_indirect_dma source(%dma_start3A_112 : memref<768x128xf32, #tpu.memory_space<vmem_shared>>) target(%arg10 : memref<128x128xf32, #tpu.memory_space<vmem>>) offsets(%dma_start3A_109 : memref<128xi32, #tpu.memory_space<vmem>>) semaphore(%arg18 : memref<!tpu.dma_semaphore, #tpu.memory_space<semaphore_mem>>)
    %dma_wait3A_113 = arith.constant 3 : i32
    %dma_wait3A_114 = arith.constant 0 : i32
    %dma_wait3A_115 = tpu.memref_slice %arg8[%dma_wait3A_113, %dma_wait3A_114] : memref<128x128xi32, #tpu.memory_space<vmem>> -> memref<1x128xi32, #tpu.memory_space<vmem>>
    %dma_wait3A_116 = tpu.memref_squeeze %dma_wait3A_115 : memref<1x128xi32, #tpu.memory_space<vmem>> -> memref<128xi32, #tpu.memory_space<vmem>>
    %dma_wait3A_117 = arith.constant 0 : i32
    %dma_wait3A_118 = arith.constant 0 : i32
    %dma_wait3A_119 = tpu.memref_slice %arg7[%dma_wait3A_117, %dma_wait3A_118] : memref<768x128xf32, #tpu.memory_space<vmem_shared>> -> memref<768x128xf32, #tpu.memory_space<vmem_shared>>
    tpu.wait_indirect_dma semaphore(%arg20 : memref<!tpu.dma_semaphore, #tpu.memory_space<semaphore_mem>>) src(%dma_wait3A_119 : memref<768x128xf32, #tpu.memory_space<vmem_shared>>) dst(%arg12 : memref<128x128xf32, #tpu.memory_space<vmem>>)
    %add3A_120 = arith.constant 384 : i32
    %add3A_121 = arith.addi %mul3A_2, %add3A_120 : i32
    %dma_start3A_122 = arith.constant 0 : i32
    %dma_start3A_123 = tpu.memref_slice %arg6[%add3A_121, %dma_start3A_122] : memref<524288x128xf32, #tpu.memory_space<hbm>> -> memref<128x128xf32, #tpu.memory_space<hbm>>
    %dma_start3A_124 = arith.constant 0 : i32
    %dma_start3A_125 = tpu.memref_slice %arg6[%add3A_121, %dma_start3A_124] : memref<524288x128xf32, #tpu.memory_space<hbm>> -> memref<128x128xf32, #tpu.memory_space<hbm>>
    tpu.enqueue_dma source(%arg12 : memref<128x128xf32, #tpu.memory_space<vmem>>) target(%dma_start3A_125 : memref<128x128xf32, #tpu.memory_space<hbm>>) target_semaphore(%arg25 : memref<!tpu.dma_semaphore, #tpu.memory_space<semaphore_mem>>)
    %add3A_126 = arith.constant 256 : i32
    %add3A_127 = arith.addi %mul3A_2, %add3A_126 : i32
    %dma_wait3A_128 = arith.constant 0 : i32
    %dma_wait3A_129 = tpu.memref_slice %arg6[%add3A_127, %dma_wait3A_128] : memref<524288x128xf32, #tpu.memory_space<hbm>> -> memref<128x128xf32, #tpu.memory_space<hbm>>
    %dma_wait3A_130 = arith.constant 0 : i32
    %dma_wait3A_131 = tpu.memref_slice %arg6[%add3A_127, %dma_wait3A_130] : memref<524288x128xf32, #tpu.memory_space<hbm>> -> memref<128x128xf32, #tpu.memory_space<hbm>>
    tpu.wait_dma2 semaphore(%arg24 : memref<!tpu.dma_semaphore, #tpu.memory_space<semaphore_mem>>) src(%arg11 : memref<128x128xf32, #tpu.memory_space<vmem>>) dst(%dma_wait3A_131 : memref<128x128xf32, #tpu.memory_space<hbm>>)
    %dma_start3A_132 = arith.constant 7 : i32
    %dma_start3A_133 = arith.constant 0 : i32
    %dma_start3A_134 = tpu.memref_slice %arg8[%dma_start3A_132, %dma_start3A_133] : memref<128x128xi32, #tpu.memory_space<vmem>> -> memref<1x128xi32, #tpu.memory_space<vmem>>
    %dma_start3A_135 = tpu.memref_squeeze %dma_start3A_134 : memref<1x128xi32, #tpu.memory_space<vmem>> -> memref<128xi32, #tpu.memory_space<vmem>>
    %dma_start3A_136 = arith.constant 0 : i32
    %dma_start3A_137 = arith.constant 0 : i32
    %dma_start3A_138 = tpu.memref_slice %arg7[%dma_start3A_136, %dma_start3A_137] : memref<768x128xf32, #tpu.memory_space<vmem_shared>> -> memref<768x128xf32, #tpu.memory_space<vmem_shared>>
    tpu.enqueue_indirect_dma source(%dma_start3A_138 : memref<768x128xf32, #tpu.memory_space<vmem_shared>>) target(%arg11 : memref<128x128xf32, #tpu.memory_space<vmem>>) offsets(%dma_start3A_135 : memref<128xi32, #tpu.memory_space<vmem>>) semaphore(%arg19 : memref<!tpu.dma_semaphore, #tpu.memory_space<semaphore_mem>>)
    %dma_wait3A_139 = arith.constant 4 : i32
    %dma_wait3A_140 = arith.constant 0 : i32
    %dma_wait3A_141 = tpu.memref_slice %arg8[%dma_wait3A_139, %dma_wait3A_140] : memref<128x128xi32, #tpu.memory_space<vmem>> -> memref<1x128xi32, #tpu.memory_space<vmem>>
    %dma_wait3A_142 = tpu.memref_squeeze %dma_wait3A_141 : memref<1x128xi32, #tpu.memory_space<vmem>> -> memref<128xi32, #tpu.memory_space<vmem>>
    %dma_wait3A_143 = arith.constant 0 : i32
    %dma_wait3A_144 = arith.constant 0 : i32
    %dma_wait3A_145 = tpu.memref_slice %arg7[%dma_wait3A_143, %dma_wait3A_144] : memref<768x128xf32, #tpu.memory_space<vmem_shared>> -> memref<768x128xf32, #tpu.memory_space<vmem_shared>>
    tpu.wait_indirect_dma semaphore(%arg21 : memref<!tpu.dma_semaphore, #tpu.memory_space<semaphore_mem>>) src(%dma_wait3A_145 : memref<768x128xf32, #tpu.memory_space<vmem_shared>>) dst(%arg13 : memref<128x128xf32, #tpu.memory_space<vmem>>)
    %add3A_146 = arith.constant 512 : i32
    %add3A_147 = arith.addi %mul3A_2, %add3A_146 : i32
    %dma_start3A_148 = arith.constant 0 : i32
    %dma_start3A_149 = tpu.memref_slice %arg6[%add3A_147, %dma_start3A_148] : memref<524288x128xf32, #tpu.memory_space<hbm>> -> memref<128x128xf32, #tpu.memory_space<hbm>>
    %dma_start3A_150 = arith.constant 0 : i32
    %dma_start3A_151 = tpu.memref_slice %arg6[%add3A_147, %dma_start3A_150] : memref<524288x128xf32, #tpu.memory_space<hbm>> -> memref<128x128xf32, #tpu.memory_space<hbm>>
    tpu.enqueue_dma source(%arg13 : memref<128x128xf32, #tpu.memory_space<vmem>>) target(%dma_start3A_151 : memref<128x128xf32, #tpu.memory_space<hbm>>) target_semaphore(%arg26 : memref<!tpu.dma_semaphore, #tpu.memory_space<semaphore_mem>>)
    %scan3A = arith.constant 1 : i32
    %scan3A_152 = arith.constant 24 : i32
    %scan3A_153 = arith.addi %scan3A, %scan3A_152 : i32
    %scan3A_154 = arith.constant 1 : i32
    scf.for %scan3A_225 = %scan3A to %scan3A_153 step %scan3A_154  : i32 {
      %mul3A_226 = arith.constant 5 : i32
      %mul3A_227 = arith.muli %scan3A_225, %mul3A_226 : i32
      %add3A_228 = arith.constant 0 : i32
      %add3A_229 = arith.addi %mul3A_227, %add3A_228 : i32
      %sub3A = arith.constant 2 : i32
      %sub3A_230 = arith.subi %add3A_229, %sub3A : i32
      %mul3A_231 = arith.constant 128 : i32
      %mul3A_232 = arith.muli %sub3A_230, %mul3A_231 : i32
      %add3A_233 = arith.addi %mul3A_2, %mul3A_232 : i32
      %dma_wait3A_234 = arith.constant 0 : i32
      %dma_wait3A_235 = tpu.memref_slice %arg6[%add3A_233, %dma_wait3A_234] : memref<524288x128xf32, #tpu.memory_space<hbm>> -> memref<128x128xf32, #tpu.memory_space<hbm>>
      %dma_wait3A_236 = arith.constant 0 : i32
      %dma_wait3A_237 = tpu.memref_slice %arg6[%add3A_233, %dma_wait3A_236] : memref<524288x128xf32, #tpu.memory_space<hbm>> -> memref<128x128xf32, #tpu.memory_space<hbm>>
      tpu.wait_dma2 semaphore(%arg25 : memref<!tpu.dma_semaphore, #tpu.memory_space<semaphore_mem>>) src(%arg12 : memref<128x128xf32, #tpu.memory_space<vmem>>) dst(%dma_wait3A_237 : memref<128x128xf32, #tpu.memory_space<hbm>>)
      %add3A_238 = arith.constant 3 : i32
      %add3A_239 = arith.addi %add3A_229, %add3A_238 : i32
      %dma_start3A_240 = arith.constant 0 : i32
      %dma_start3A_241 = tpu.memref_slice %arg8[%add3A_239, %dma_start3A_240] : memref<128x128xi32, #tpu.memory_space<vmem>> -> memref<1x128xi32, #tpu.memory_space<vmem>>
      %dma_start3A_242 = tpu.memref_squeeze %dma_start3A_241 : memref<1x128xi32, #tpu.memory_space<vmem>> -> memref<128xi32, #tpu.memory_space<vmem>>
      %dma_start3A_243 = arith.constant 0 : i32
      %dma_start3A_244 = arith.constant 0 : i32
      %dma_start3A_245 = tpu.memref_slice %arg7[%dma_start3A_243, %dma_start3A_244] : memref<768x128xf32, #tpu.memory_space<vmem_shared>> -> memref<768x128xf32, #tpu.memory_space<vmem_shared>>
      tpu.enqueue_indirect_dma source(%dma_start3A_245 : memref<768x128xf32, #tpu.memory_space<vmem_shared>>) target(%arg12 : memref<128x128xf32, #tpu.memory_space<vmem>>) offsets(%dma_start3A_242 : memref<128xi32, #tpu.memory_space<vmem>>) semaphore(%arg20 : memref<!tpu.dma_semaphore, #tpu.memory_space<semaphore_mem>>)
      %dma_wait3A_246 = arith.constant 0 : i32
      %dma_wait3A_247 = tpu.memref_slice %arg8[%add3A_229, %dma_wait3A_246] : memref<128x128xi32, #tpu.memory_space<vmem>> -> memref<1x128xi32, #tpu.memory_space<vmem>>
      %dma_wait3A_248 = tpu.memref_squeeze %dma_wait3A_247 : memref<1x128xi32, #tpu.memory_space<vmem>> -> memref<128xi32, #tpu.memory_space<vmem>>
      %dma_wait3A_249 = arith.constant 0 : i32
      %dma_wait3A_250 = arith.constant 0 : i32
      %dma_wait3A_251 = tpu.memref_slice %arg7[%dma_wait3A_249, %dma_wait3A_250] : memref<768x128xf32, #tpu.memory_space<vmem_shared>> -> memref<768x128xf32, #tpu.memory_space<vmem_shared>>
      tpu.wait_indirect_dma semaphore(%arg17 : memref<!tpu.dma_semaphore, #tpu.memory_space<semaphore_mem>>) src(%dma_wait3A_251 : memref<768x128xf32, #tpu.memory_space<vmem_shared>>) dst(%arg9 : memref<128x128xf32, #tpu.memory_space<vmem>>)
      %mul3A_252 = arith.constant 128 : i32
      %mul3A_253 = arith.muli %add3A_229, %mul3A_252 : i32
      %add3A_254 = arith.addi %mul3A_2, %mul3A_253 : i32
      %dma_start3A_255 = arith.constant 0 : i32
      %dma_start3A_256 = tpu.memref_slice %arg6[%add3A_254, %dma_start3A_255] : memref<524288x128xf32, #tpu.memory_space<hbm>> -> memref<128x128xf32, #tpu.memory_space<hbm>>
      %dma_start3A_257 = arith.constant 0 : i32
      %dma_start3A_258 = tpu.memref_slice %arg6[%add3A_254, %dma_start3A_257] : memref<524288x128xf32, #tpu.memory_space<hbm>> -> memref<128x128xf32, #tpu.memory_space<hbm>>
      tpu.enqueue_dma source(%arg9 : memref<128x128xf32, #tpu.memory_space<vmem>>) target(%dma_start3A_258 : memref<128x128xf32, #tpu.memory_space<hbm>>) target_semaphore(%arg22 : memref<!tpu.dma_semaphore, #tpu.memory_space<semaphore_mem>>)
      %mul3A_259 = arith.constant 5 : i32
      %mul3A_260 = arith.muli %scan3A_225, %mul3A_259 : i32
      %add3A_261 = arith.constant 1 : i32
      %add3A_262 = arith.addi %mul3A_260, %add3A_261 : i32
      %sub3A_263 = arith.constant 2 : i32
      %sub3A_264 = arith.subi %add3A_262, %sub3A_263 : i32
      %mul3A_265 = arith.constant 128 : i32
      %mul3A_266 = arith.muli %sub3A_264, %mul3A_265 : i32
      %add3A_267 = arith.addi %mul3A_2, %mul3A_266 : i32
      %dma_wait3A_268 = arith.constant 0 : i32
      %dma_wait3A_269 = tpu.memref_slice %arg6[%add3A_267, %dma_wait3A_268] : memref<524288x128xf32, #tpu.memory_space<hbm>> -> memref<128x128xf32, #tpu.memory_space<hbm>>
      %dma_wait3A_270 = arith.constant 0 : i32
      %dma_wait3A_271 = tpu.memref_slice %arg6[%add3A_267, %dma_wait3A_270] : memref<524288x128xf32, #tpu.memory_space<hbm>> -> memref<128x128xf32, #tpu.memory_space<hbm>>
      tpu.wait_dma2 semaphore(%arg26 : memref<!tpu.dma_semaphore, #tpu.memory_space<semaphore_mem>>) src(%arg13 : memref<128x128xf32, #tpu.memory_space<vmem>>) dst(%dma_wait3A_271 : memref<128x128xf32, #tpu.memory_space<hbm>>)
      %add3A_272 = arith.constant 3 : i32
      %add3A_273 = arith.addi %add3A_262, %add3A_272 : i32
      %dma_start3A_274 = arith.constant 0 : i32
      %dma_start3A_275 = tpu.memref_slice %arg8[%add3A_273, %dma_start3A_274] : memref<128x128xi32, #tpu.memory_space<vmem>> -> memref<1x128xi32, #tpu.memory_space<vmem>>
      %dma_start3A_276 = tpu.memref_squeeze %dma_start3A_275 : memref<1x128xi32, #tpu.memory_space<vmem>> -> memref<128xi32, #tpu.memory_space<vmem>>
      %dma_start3A_277 = arith.constant 0 : i32
      %dma_start3A_278 = arith.constant 0 : i32
      %dma_start3A_279 = tpu.memref_slice %arg7[%dma_start3A_277, %dma_start3A_278] : memref<768x128xf32, #tpu.memory_space<vmem_shared>> -> memref<768x128xf32, #tpu.memory_space<vmem_shared>>
      tpu.enqueue_indirect_dma source(%dma_start3A_279 : memref<768x128xf32, #tpu.memory_space<vmem_shared>>) target(%arg13 : memref<128x128xf32, #tpu.memory_space<vmem>>) offsets(%dma_start3A_276 : memref<128xi32, #tpu.memory_space<vmem>>) semaphore(%arg21 : memref<!tpu.dma_semaphore, #tpu.memory_space<semaphore_mem>>)
      %dma_wait3A_280 = arith.constant 0 : i32
      %dma_wait3A_281 = tpu.memref_slice %arg8[%add3A_262, %dma_wait3A_280] : memref<128x128xi32, #tpu.memory_space<vmem>> -> memref<1x128xi32, #tpu.memory_space<vmem>>
      %dma_wait3A_282 = tpu.memref_squeeze %dma_wait3A_281 : memref<1x128xi32, #tpu.memory_space<vmem>> -> memref<128xi32, #tpu.memory_space<vmem>>
      %dma_wait3A_283 = arith.constant 0 : i32
      %dma_wait3A_284 = arith.constant 0 : i32
      %dma_wait3A_285 = tpu.memref_slice %arg7[%dma_wait3A_283, %dma_wait3A_284] : memref<768x128xf32, #tpu.memory_space<vmem_shared>> -> memref<768x128xf32, #tpu.memory_space<vmem_shared>>
      tpu.wait_indirect_dma semaphore(%arg18 : memref<!tpu.dma_semaphore, #tpu.memory_space<semaphore_mem>>) src(%dma_wait3A_285 : memref<768x128xf32, #tpu.memory_space<vmem_shared>>) dst(%arg10 : memref<128x128xf32, #tpu.memory_space<vmem>>)
      %mul3A_286 = arith.constant 128 : i32
      %mul3A_287 = arith.muli %add3A_262, %mul3A_286 : i32
      %add3A_288 = arith.addi %mul3A_2, %mul3A_287 : i32
      %dma_start3A_289 = arith.constant 0 : i32
      %dma_start3A_290 = tpu.memref_slice %arg6[%add3A_288, %dma_start3A_289] : memref<524288x128xf32, #tpu.memory_space<hbm>> -> memref<128x128xf32, #tpu.memory_space<hbm>>
      %dma_start3A_291 = arith.constant 0 : i32
      %dma_start3A_292 = tpu.memref_slice %arg6[%add3A_288, %dma_start3A_291] : memref<524288x128xf32, #tpu.memory_space<hbm>> -> memref<128x128xf32, #tpu.memory_space<hbm>>
      tpu.enqueue_dma source(%arg10 : memref<128x128xf32, #tpu.memory_space<vmem>>) target(%dma_start3A_292 : memref<128x128xf32, #tpu.memory_space<hbm>>) target_semaphore(%arg23 : memref<!tpu.dma_semaphore, #tpu.memory_space<semaphore_mem>>)
      %mul3A_293 = arith.constant 5 : i32
      %mul3A_294 = arith.muli %scan3A_225, %mul3A_293 : i32
      %add3A_295 = arith.constant 2 : i32
      %add3A_296 = arith.addi %mul3A_294, %add3A_295 : i32
      %sub3A_297 = arith.constant 2 : i32
      %sub3A_298 = arith.subi %add3A_296, %sub3A_297 : i32
      %mul3A_299 = arith.constant 128 : i32
      %mul3A_300 = arith.muli %sub3A_298, %mul3A_299 : i32
      %add3A_301 = arith.addi %mul3A_2, %mul3A_300 : i32
      %dma_wait3A_302 = arith.constant 0 : i32
      %dma_wait3A_303 = tpu.memref_slice %arg6[%add3A_301, %dma_wait3A_302] : memref<524288x128xf32, #tpu.memory_space<hbm>> -> memref<128x128xf32, #tpu.memory_space<hbm>>
      %dma_wait3A_304 = arith.constant 0 : i32
      %dma_wait3A_305 = tpu.memref_slice %arg6[%add3A_301, %dma_wait3A_304] : memref<524288x128xf32, #tpu.memory_space<hbm>> -> memref<128x128xf32, #tpu.memory_space<hbm>>
      tpu.wait_dma2 semaphore(%arg22 : memref<!tpu.dma_semaphore, #tpu.memory_space<semaphore_mem>>) src(%arg9 : memref<128x128xf32, #tpu.memory_space<vmem>>) dst(%dma_wait3A_305 : memref<128x128xf32, #tpu.memory_space<hbm>>)
      %add3A_306 = arith.constant 3 : i32
      %add3A_307 = arith.addi %add3A_296, %add3A_306 : i32
      %dma_start3A_308 = arith.constant 0 : i32
      %dma_start3A_309 = tpu.memref_slice %arg8[%add3A_307, %dma_start3A_308] : memref<128x128xi32, #tpu.memory_space<vmem>> -> memref<1x128xi32, #tpu.memory_space<vmem>>
      %dma_start3A_310 = tpu.memref_squeeze %dma_start3A_309 : memref<1x128xi32, #tpu.memory_space<vmem>> -> memref<128xi32, #tpu.memory_space<vmem>>
      %dma_start3A_311 = arith.constant 0 : i32
      %dma_start3A_312 = arith.constant 0 : i32
      %dma_start3A_313 = tpu.memref_slice %arg7[%dma_start3A_311, %dma_start3A_312] : memref<768x128xf32, #tpu.memory_space<vmem_shared>> -> memref<768x128xf32, #tpu.memory_space<vmem_shared>>
      tpu.enqueue_indirect_dma source(%dma_start3A_313 : memref<768x128xf32, #tpu.memory_space<vmem_shared>>) target(%arg9 : memref<128x128xf32, #tpu.memory_space<vmem>>) offsets(%dma_start3A_310 : memref<128xi32, #tpu.memory_space<vmem>>) semaphore(%arg17 : memref<!tpu.dma_semaphore, #tpu.memory_space<semaphore_mem>>)
      %dma_wait3A_314 = arith.constant 0 : i32
      %dma_wait3A_315 = tpu.memref_slice %arg8[%add3A_296, %dma_wait3A_314] : memref<128x128xi32, #tpu.memory_space<vmem>> -> memref<1x128xi32, #tpu.memory_space<vmem>>
      %dma_wait3A_316 = tpu.memref_squeeze %dma_wait3A_315 : memref<1x128xi32, #tpu.memory_space<vmem>> -> memref<128xi32, #tpu.memory_space<vmem>>
      %dma_wait3A_317 = arith.constant 0 : i32
      %dma_wait3A_318 = arith.constant 0 : i32
      %dma_wait3A_319 = tpu.memref_slice %arg7[%dma_wait3A_317, %dma_wait3A_318] : memref<768x128xf32, #tpu.memory_space<vmem_shared>> -> memref<768x128xf32, #tpu.memory_space<vmem_shared>>
      tpu.wait_indirect_dma semaphore(%arg19 : memref<!tpu.dma_semaphore, #tpu.memory_space<semaphore_mem>>) src(%dma_wait3A_319 : memref<768x128xf32, #tpu.memory_space<vmem_shared>>) dst(%arg11 : memref<128x128xf32, #tpu.memory_space<vmem>>)
      %mul3A_320 = arith.constant 128 : i32
      %mul3A_321 = arith.muli %add3A_296, %mul3A_320 : i32
      %add3A_322 = arith.addi %mul3A_2, %mul3A_321 : i32
      %dma_start3A_323 = arith.constant 0 : i32
      %dma_start3A_324 = tpu.memref_slice %arg6[%add3A_322, %dma_start3A_323] : memref<524288x128xf32, #tpu.memory_space<hbm>> -> memref<128x128xf32, #tpu.memory_space<hbm>>
      %dma_start3A_325 = arith.constant 0 : i32
      %dma_start3A_326 = tpu.memref_slice %arg6[%add3A_322, %dma_start3A_325] : memref<524288x128xf32, #tpu.memory_space<hbm>> -> memref<128x128xf32, #tpu.memory_space<hbm>>
      tpu.enqueue_dma source(%arg11 : memref<128x128xf32, #tpu.memory_space<vmem>>) target(%dma_start3A_326 : memref<128x128xf32, #tpu.memory_space<hbm>>) target_semaphore(%arg24 : memref<!tpu.dma_semaphore, #tpu.memory_space<semaphore_mem>>)
      %mul3A_327 = arith.constant 5 : i32
      %mul3A_328 = arith.muli %scan3A_225, %mul3A_327 : i32
      %add3A_329 = arith.constant 3 : i32
      %add3A_330 = arith.addi %mul3A_328, %add3A_329 : i32
      %sub3A_331 = arith.constant 2 : i32
      %sub3A_332 = arith.subi %add3A_330, %sub3A_331 : i32
      %mul3A_333 = arith.constant 128 : i32
      %mul3A_334 = arith.muli %sub3A_332, %mul3A_333 : i32
      %add3A_335 = arith.addi %mul3A_2, %mul3A_334 : i32
      %dma_wait3A_336 = arith.constant 0 : i32
      %dma_wait3A_337 = tpu.memref_slice %arg6[%add3A_335, %dma_wait3A_336] : memref<524288x128xf32, #tpu.memory_space<hbm>> -> memref<128x128xf32, #tpu.memory_space<hbm>>
      %dma_wait3A_338 = arith.constant 0 : i32
      %dma_wait3A_339 = tpu.memref_slice %arg6[%add3A_335, %dma_wait3A_338] : memref<524288x128xf32, #tpu.memory_space<hbm>> -> memref<128x128xf32, #tpu.memory_space<hbm>>
      tpu.wait_dma2 semaphore(%arg23 : memref<!tpu.dma_semaphore, #tpu.memory_space<semaphore_mem>>) src(%arg10 : memref<128x128xf32, #tpu.memory_space<vmem>>) dst(%dma_wait3A_339 : memref<128x128xf32, #tpu.memory_space<hbm>>)
      %add3A_340 = arith.constant 3 : i32
      %add3A_341 = arith.addi %add3A_330, %add3A_340 : i32
      %dma_start3A_342 = arith.constant 0 : i32
      %dma_start3A_343 = tpu.memref_slice %arg8[%add3A_341, %dma_start3A_342] : memref<128x128xi32, #tpu.memory_space<vmem>> -> memref<1x128xi32, #tpu.memory_space<vmem>>
      %dma_start3A_344 = tpu.memref_squeeze %dma_start3A_343 : memref<1x128xi32, #tpu.memory_space<vmem>> -> memref<128xi32, #tpu.memory_space<vmem>>
      %dma_start3A_345 = arith.constant 0 : i32
      %dma_start3A_346 = arith.constant 0 : i32
      %dma_start3A_347 = tpu.memref_slice %arg7[%dma_start3A_345, %dma_start3A_346] : memref<768x128xf32, #tpu.memory_space<vmem_shared>> -> memref<768x128xf32, #tpu.memory_space<vmem_shared>>
      tpu.enqueue_indirect_dma source(%dma_start3A_347 : memref<768x128xf32, #tpu.memory_space<vmem_shared>>) target(%arg10 : memref<128x128xf32, #tpu.memory_space<vmem>>) offsets(%dma_start3A_344 : memref<128xi32, #tpu.memory_space<vmem>>) semaphore(%arg18 : memref<!tpu.dma_semaphore, #tpu.memory_space<semaphore_mem>>)
      %dma_wait3A_348 = arith.constant 0 : i32
      %dma_wait3A_349 = tpu.memref_slice %arg8[%add3A_330, %dma_wait3A_348] : memref<128x128xi32, #tpu.memory_space<vmem>> -> memref<1x128xi32, #tpu.memory_space<vmem>>
      %dma_wait3A_350 = tpu.memref_squeeze %dma_wait3A_349 : memref<1x128xi32, #tpu.memory_space<vmem>> -> memref<128xi32, #tpu.memory_space<vmem>>
      %dma_wait3A_351 = arith.constant 0 : i32
      %dma_wait3A_352 = arith.constant 0 : i32
      %dma_wait3A_353 = tpu.memref_slice %arg7[%dma_wait3A_351, %dma_wait3A_352] : memref<768x128xf32, #tpu.memory_space<vmem_shared>> -> memref<768x128xf32, #tpu.memory_space<vmem_shared>>
      tpu.wait_indirect_dma semaphore(%arg20 : memref<!tpu.dma_semaphore, #tpu.memory_space<semaphore_mem>>) src(%dma_wait3A_353 : memref<768x128xf32, #tpu.memory_space<vmem_shared>>) dst(%arg12 : memref<128x128xf32, #tpu.memory_space<vmem>>)
      %mul3A_354 = arith.constant 128 : i32
      %mul3A_355 = arith.muli %add3A_330, %mul3A_354 : i32
      %add3A_356 = arith.addi %mul3A_2, %mul3A_355 : i32
      %dma_start3A_357 = arith.constant 0 : i32
      %dma_start3A_358 = tpu.memref_slice %arg6[%add3A_356, %dma_start3A_357] : memref<524288x128xf32, #tpu.memory_space<hbm>> -> memref<128x128xf32, #tpu.memory_space<hbm>>
      %dma_start3A_359 = arith.constant 0 : i32
      %dma_start3A_360 = tpu.memref_slice %arg6[%add3A_356, %dma_start3A_359] : memref<524288x128xf32, #tpu.memory_space<hbm>> -> memref<128x128xf32, #tpu.memory_space<hbm>>
      tpu.enqueue_dma source(%arg12 : memref<128x128xf32, #tpu.memory_space<vmem>>) target(%dma_start3A_360 : memref<128x128xf32, #tpu.memory_space<hbm>>) target_semaphore(%arg25 : memref<!tpu.dma_semaphore, #tpu.memory_space<semaphore_mem>>)
      %mul3A_361 = arith.constant 5 : i32
      %mul3A_362 = arith.muli %scan3A_225, %mul3A_361 : i32
      %add3A_363 = arith.constant 4 : i32
      %add3A_364 = arith.addi %mul3A_362, %add3A_363 : i32
      %sub3A_365 = arith.constant 2 : i32
      %sub3A_366 = arith.subi %add3A_364, %sub3A_365 : i32
      %mul3A_367 = arith.constant 128 : i32
      %mul3A_368 = arith.muli %sub3A_366, %mul3A_367 : i32
      %add3A_369 = arith.addi %mul3A_2, %mul3A_368 : i32
      %dma_wait3A_370 = arith.constant 0 : i32
      %dma_wait3A_371 = tpu.memref_slice %arg6[%add3A_369, %dma_wait3A_370] : memref<524288x128xf32, #tpu.memory_space<hbm>> -> memref<128x128xf32, #tpu.memory_space<hbm>>
      %dma_wait3A_372 = arith.constant 0 : i32
      %dma_wait3A_373 = tpu.memref_slice %arg6[%add3A_369, %dma_wait3A_372] : memref<524288x128xf32, #tpu.memory_space<hbm>> -> memref<128x128xf32, #tpu.memory_space<hbm>>
      tpu.wait_dma2 semaphore(%arg24 : memref<!tpu.dma_semaphore, #tpu.memory_space<semaphore_mem>>) src(%arg11 : memref<128x128xf32, #tpu.memory_space<vmem>>) dst(%dma_wait3A_373 : memref<128x128xf32, #tpu.memory_space<hbm>>)
      %add3A_374 = arith.constant 3 : i32
      %add3A_375 = arith.addi %add3A_364, %add3A_374 : i32
      %dma_start3A_376 = arith.constant 0 : i32
      %dma_start3A_377 = tpu.memref_slice %arg8[%add3A_375, %dma_start3A_376] : memref<128x128xi32, #tpu.memory_space<vmem>> -> memref<1x128xi32, #tpu.memory_space<vmem>>
      %dma_start3A_378 = tpu.memref_squeeze %dma_start3A_377 : memref<1x128xi32, #tpu.memory_space<vmem>> -> memref<128xi32, #tpu.memory_space<vmem>>
      %dma_start3A_379 = arith.constant 0 : i32
      %dma_start3A_380 = arith.constant 0 : i32
      %dma_start3A_381 = tpu.memref_slice %arg7[%dma_start3A_379, %dma_start3A_380] : memref<768x128xf32, #tpu.memory_space<vmem_shared>> -> memref<768x128xf32, #tpu.memory_space<vmem_shared>>
      tpu.enqueue_indirect_dma source(%dma_start3A_381 : memref<768x128xf32, #tpu.memory_space<vmem_shared>>) target(%arg11 : memref<128x128xf32, #tpu.memory_space<vmem>>) offsets(%dma_start3A_378 : memref<128xi32, #tpu.memory_space<vmem>>) semaphore(%arg19 : memref<!tpu.dma_semaphore, #tpu.memory_space<semaphore_mem>>)
      %dma_wait3A_382 = arith.constant 0 : i32
      %dma_wait3A_383 = tpu.memref_slice %arg8[%add3A_364, %dma_wait3A_382] : memref<128x128xi32, #tpu.memory_space<vmem>> -> memref<1x128xi32, #tpu.memory_space<vmem>>
      %dma_wait3A_384 = tpu.memref_squeeze %dma_wait3A_383 : memref<1x128xi32, #tpu.memory_space<vmem>> -> memref<128xi32, #tpu.memory_space<vmem>>
      %dma_wait3A_385 = arith.constant 0 : i32
      %dma_wait3A_386 = arith.constant 0 : i32
      %dma_wait3A_387 = tpu.memref_slice %arg7[%dma_wait3A_385, %dma_wait3A_386] : memref<768x128xf32, #tpu.memory_space<vmem_shared>> -> memref<768x128xf32, #tpu.memory_space<vmem_shared>>
      tpu.wait_indirect_dma semaphore(%arg21 : memref<!tpu.dma_semaphore, #tpu.memory_space<semaphore_mem>>) src(%dma_wait3A_387 : memref<768x128xf32, #tpu.memory_space<vmem_shared>>) dst(%arg13 : memref<128x128xf32, #tpu.memory_space<vmem>>)
      %mul3A_388 = arith.constant 128 : i32
      %mul3A_389 = arith.muli %add3A_364, %mul3A_388 : i32
      %add3A_390 = arith.addi %mul3A_2, %mul3A_389 : i32
      %dma_start3A_391 = arith.constant 0 : i32
      %dma_start3A_392 = tpu.memref_slice %arg6[%add3A_390, %dma_start3A_391] : memref<524288x128xf32, #tpu.memory_space<hbm>> -> memref<128x128xf32, #tpu.memory_space<hbm>>
      %dma_start3A_393 = arith.constant 0 : i32
      %dma_start3A_394 = tpu.memref_slice %arg6[%add3A_390, %dma_start3A_393] : memref<524288x128xf32, #tpu.memory_space<hbm>> -> memref<128x128xf32, #tpu.memory_space<hbm>>
      tpu.enqueue_dma source(%arg13 : memref<128x128xf32, #tpu.memory_space<vmem>>) target(%dma_start3A_394 : memref<128x128xf32, #tpu.memory_space<hbm>>) target_semaphore(%arg26 : memref<!tpu.dma_semaphore, #tpu.memory_space<semaphore_mem>>)
    }
    %scan3A_155 = arith.constant 24 : i32
    %dma_wait3A_156 = arith.constant 125 : i32
    %dma_wait3A_157 = arith.constant 0 : i32
    %dma_wait3A_158 = tpu.memref_slice %arg8[%dma_wait3A_156, %dma_wait3A_157] : memref<128x128xi32, #tpu.memory_space<vmem>> -> memref<1x128xi32, #tpu.memory_space<vmem>>
    %dma_wait3A_159 = tpu.memref_squeeze %dma_wait3A_158 : memref<1x128xi32, #tpu.memory_space<vmem>> -> memref<128xi32, #tpu.memory_space<vmem>>
    %dma_wait3A_160 = arith.constant 0 : i32
    %dma_wait3A_161 = arith.constant 0 : i32
    %dma_wait3A_162 = tpu.memref_slice %arg7[%dma_wait3A_160, %dma_wait3A_161] : memref<768x128xf32, #tpu.memory_space<vmem_shared>> -> memref<768x128xf32, #tpu.memory_space<vmem_shared>>
    tpu.wait_indirect_dma semaphore(%arg17 : memref<!tpu.dma_semaphore, #tpu.memory_space<semaphore_mem>>) src(%dma_wait3A_162 : memref<768x128xf32, #tpu.memory_space<vmem_shared>>) dst(%arg9 : memref<128x128xf32, #tpu.memory_space<vmem>>)
    %add3A_163 = arith.constant 16000 : i32
    %add3A_164 = arith.addi %mul3A_2, %add3A_163 : i32
    %dma_start3A_165 = arith.constant 0 : i32
    %dma_start3A_166 = tpu.memref_slice %arg6[%add3A_164, %dma_start3A_165] : memref<524288x128xf32, #tpu.memory_space<hbm>> -> memref<128x128xf32, #tpu.memory_space<hbm>>
    %dma_start3A_167 = arith.constant 0 : i32
    %dma_start3A_168 = tpu.memref_slice %arg6[%add3A_164, %dma_start3A_167] : memref<524288x128xf32, #tpu.memory_space<hbm>> -> memref<128x128xf32, #tpu.memory_space<hbm>>
    tpu.enqueue_dma source(%arg9 : memref<128x128xf32, #tpu.memory_space<vmem>>) target(%dma_start3A_168 : memref<128x128xf32, #tpu.memory_space<hbm>>) target_semaphore(%arg22 : memref<!tpu.dma_semaphore, #tpu.memory_space<semaphore_mem>>)
    %dma_wait3A_169 = arith.constant 126 : i32
    %dma_wait3A_170 = arith.constant 0 : i32
    %dma_wait3A_171 = tpu.memref_slice %arg8[%dma_wait3A_169, %dma_wait3A_170] : memref<128x128xi32, #tpu.memory_space<vmem>> -> memref<1x128xi32, #tpu.memory_space<vmem>>
    %dma_wait3A_172 = tpu.memref_squeeze %dma_wait3A_171 : memref<1x128xi32, #tpu.memory_space<vmem>> -> memref<128xi32, #tpu.memory_space<vmem>>
    %dma_wait3A_173 = arith.constant 0 : i32
    %dma_wait3A_174 = arith.constant 0 : i32
    %dma_wait3A_175 = tpu.memref_slice %arg7[%dma_wait3A_173, %dma_wait3A_174] : memref<768x128xf32, #tpu.memory_space<vmem_shared>> -> memref<768x128xf32, #tpu.memory_space<vmem_shared>>
    tpu.wait_indirect_dma semaphore(%arg18 : memref<!tpu.dma_semaphore, #tpu.memory_space<semaphore_mem>>) src(%dma_wait3A_175 : memref<768x128xf32, #tpu.memory_space<vmem_shared>>) dst(%arg10 : memref<128x128xf32, #tpu.memory_space<vmem>>)
    %add3A_176 = arith.constant 16128 : i32
    %add3A_177 = arith.addi %mul3A_2, %add3A_176 : i32
    %dma_start3A_178 = arith.constant 0 : i32
    %dma_start3A_179 = tpu.memref_slice %arg6[%add3A_177, %dma_start3A_178] : memref<524288x128xf32, #tpu.memory_space<hbm>> -> memref<128x128xf32, #tpu.memory_space<hbm>>
    %dma_start3A_180 = arith.constant 0 : i32
    %dma_start3A_181 = tpu.memref_slice %arg6[%add3A_177, %dma_start3A_180] : memref<524288x128xf32, #tpu.memory_space<hbm>> -> memref<128x128xf32, #tpu.memory_space<hbm>>
    tpu.enqueue_dma source(%arg10 : memref<128x128xf32, #tpu.memory_space<vmem>>) target(%dma_start3A_181 : memref<128x128xf32, #tpu.memory_space<hbm>>) target_semaphore(%arg23 : memref<!tpu.dma_semaphore, #tpu.memory_space<semaphore_mem>>)
    %dma_wait3A_182 = arith.constant 127 : i32
    %dma_wait3A_183 = arith.constant 0 : i32
    %dma_wait3A_184 = tpu.memref_slice %arg8[%dma_wait3A_182, %dma_wait3A_183] : memref<128x128xi32, #tpu.memory_space<vmem>> -> memref<1x128xi32, #tpu.memory_space<vmem>>
    %dma_wait3A_185 = tpu.memref_squeeze %dma_wait3A_184 : memref<1x128xi32, #tpu.memory_space<vmem>> -> memref<128xi32, #tpu.memory_space<vmem>>
    %dma_wait3A_186 = arith.constant 0 : i32
    %dma_wait3A_187 = arith.constant 0 : i32
    %dma_wait3A_188 = tpu.memref_slice %arg7[%dma_wait3A_186, %dma_wait3A_187] : memref<768x128xf32, #tpu.memory_space<vmem_shared>> -> memref<768x128xf32, #tpu.memory_space<vmem_shared>>
    tpu.wait_indirect_dma semaphore(%arg19 : memref<!tpu.dma_semaphore, #tpu.memory_space<semaphore_mem>>) src(%dma_wait3A_188 : memref<768x128xf32, #tpu.memory_space<vmem_shared>>) dst(%arg11 : memref<128x128xf32, #tpu.memory_space<vmem>>)
    %add3A_189 = arith.constant 16256 : i32
    %add3A_190 = arith.addi %mul3A_2, %add3A_189 : i32
    %dma_start3A_191 = arith.constant 0 : i32
    %dma_start3A_192 = tpu.memref_slice %arg6[%add3A_190, %dma_start3A_191] : memref<524288x128xf32, #tpu.memory_space<hbm>> -> memref<128x128xf32, #tpu.memory_space<hbm>>
    %dma_start3A_193 = arith.constant 0 : i32
    %dma_start3A_194 = tpu.memref_slice %arg6[%add3A_190, %dma_start3A_193] : memref<524288x128xf32, #tpu.memory_space<hbm>> -> memref<128x128xf32, #tpu.memory_space<hbm>>
    tpu.enqueue_dma source(%arg11 : memref<128x128xf32, #tpu.memory_space<vmem>>) target(%dma_start3A_194 : memref<128x128xf32, #tpu.memory_space<hbm>>) target_semaphore(%arg24 : memref<!tpu.dma_semaphore, #tpu.memory_space<semaphore_mem>>)
    %add3A_195 = arith.constant 15744 : i32
    %add3A_196 = arith.addi %mul3A_2, %add3A_195 : i32
    %dma_wait3A_197 = arith.constant 0 : i32
    %dma_wait3A_198 = tpu.memref_slice %arg6[%add3A_196, %dma_wait3A_197] : memref<524288x128xf32, #tpu.memory_space<hbm>> -> memref<128x128xf32, #tpu.memory_space<hbm>>
    %dma_wait3A_199 = arith.constant 0 : i32
    %dma_wait3A_200 = tpu.memref_slice %arg6[%add3A_196, %dma_wait3A_199] : memref<524288x128xf32, #tpu.memory_space<hbm>> -> memref<128x128xf32, #tpu.memory_space<hbm>>
    tpu.wait_dma2 semaphore(%arg25 : memref<!tpu.dma_semaphore, #tpu.memory_space<semaphore_mem>>) src(%arg12 : memref<128x128xf32, #tpu.memory_space<vmem>>) dst(%dma_wait3A_200 : memref<128x128xf32, #tpu.memory_space<hbm>>)
    %add3A_201 = arith.constant 15872 : i32
    %add3A_202 = arith.addi %mul3A_2, %add3A_201 : i32
    %dma_wait3A_203 = arith.constant 0 : i32
    %dma_wait3A_204 = tpu.memref_slice %arg6[%add3A_202, %dma_wait3A_203] : memref<524288x128xf32, #tpu.memory_space<hbm>> -> memref<128x128xf32, #tpu.memory_space<hbm>>
    %dma_wait3A_205 = arith.constant 0 : i32
    %dma_wait3A_206 = tpu.memref_slice %arg6[%add3A_202, %dma_wait3A_205] : memref<524288x128xf32, #tpu.memory_space<hbm>> -> memref<128x128xf32, #tpu.memory_space<hbm>>
    tpu.wait_dma2 semaphore(%arg26 : memref<!tpu.dma_semaphore, #tpu.memory_space<semaphore_mem>>) src(%arg13 : memref<128x128xf32, #tpu.memory_space<vmem>>) dst(%dma_wait3A_206 : memref<128x128xf32, #tpu.memory_space<hbm>>)
    %add3A_207 = arith.constant 16000 : i32
    %add3A_208 = arith.addi %mul3A_2, %add3A_207 : i32
    %dma_wait3A_209 = arith.constant 0 : i32
    %dma_wait3A_210 = tpu.memref_slice %arg6[%add3A_208, %dma_wait3A_209] : memref<524288x128xf32, #tpu.memory_space<hbm>> -> memref<128x128xf32, #tpu.memory_space<hbm>>
    %dma_wait3A_211 = arith.constant 0 : i32
    %dma_wait3A_212 = tpu.memref_slice %arg6[%add3A_208, %dma_wait3A_211] : memref<524288x128xf32, #tpu.memory_space<hbm>> -> memref<128x128xf32, #tpu.memory_space<hbm>>
    tpu.wait_dma2 semaphore(%arg22 : memref<!tpu.dma_semaphore, #tpu.memory_space<semaphore_mem>>) src(%arg9 : memref<128x128xf32, #tpu.memory_space<vmem>>) dst(%dma_wait3A_212 : memref<128x128xf32, #tpu.memory_space<hbm>>)
    %add3A_213 = arith.constant 16128 : i32
    %add3A_214 = arith.addi %mul3A_2, %add3A_213 : i32
    %dma_wait3A_215 = arith.constant 0 : i32
    %dma_wait3A_216 = tpu.memref_slice %arg6[%add3A_214, %dma_wait3A_215] : memref<524288x128xf32, #tpu.memory_space<hbm>> -> memref<128x128xf32, #tpu.memory_space<hbm>>
    %dma_wait3A_217 = arith.constant 0 : i32
    %dma_wait3A_218 = tpu.memref_slice %arg6[%add3A_214, %dma_wait3A_217] : memref<524288x128xf32, #tpu.memory_space<hbm>> -> memref<128x128xf32, #tpu.memory_space<hbm>>
    tpu.wait_dma2 semaphore(%arg23 : memref<!tpu.dma_semaphore, #tpu.memory_space<semaphore_mem>>) src(%arg10 : memref<128x128xf32, #tpu.memory_space<vmem>>) dst(%dma_wait3A_218 : memref<128x128xf32, #tpu.memory_space<hbm>>)
    %add3A_219 = arith.constant 16256 : i32
    %add3A_220 = arith.addi %mul3A_2, %add3A_219 : i32
    %dma_wait3A_221 = arith.constant 0 : i32
    %dma_wait3A_222 = tpu.memref_slice %arg6[%add3A_220, %dma_wait3A_221] : memref<524288x128xf32, #tpu.memory_space<hbm>> -> memref<128x128xf32, #tpu.memory_space<hbm>>
    %dma_wait3A_223 = arith.constant 0 : i32
    %dma_wait3A_224 = tpu.memref_slice %arg6[%add3A_220, %dma_wait3A_223] : memref<524288x128xf32, #tpu.memory_space<hbm>> -> memref<128x128xf32, #tpu.memory_space<hbm>>
    tpu.wait_dma2 semaphore(%arg24 : memref<!tpu.dma_semaphore, #tpu.memory_space<semaphore_mem>>) src(%arg11 : memref<128x128xf32, #tpu.memory_space<vmem>>) dst(%dma_wait3A_224 : memref<128x128xf32, #tpu.memory_space<hbm>>)
    return
  }
}

</mosaic_0001>

<sc_bundles>
// kernel: kernel.3.cloned.1.call-start
scs
__scs_entry_jumppad:
0x0: {  	(pc) =	sbr.rel $0x88, $3  }
0x1: {  	(tag) =	ssettag $0x0;
	lr =	simm.s32 $0x1  }
0x2: {  	[smem:$0x3F9B] =	sst lr;
	_ =	strace $0xD0000000  }
0x3: {  	_ = 	snop  }
0x4: {  	_ = 	snop  }
0x5: {  	_ = 	snop  }
0x6: {  	_ = 	snop  }
0x7: {  	_ = 	snop  }
__scs_overlays_trampoline_lowered:
0x8: {  	[smem:$0x3FAA] =	sst s0  }
0x9: {  	[smem:$0x3FAB] =	sst s1  }
0xa: {  	[smem:$0x3FAC] =	sst s2  }
0xb: {  	[smem:$0x3FAD] =	sst s3  }
0xc: {  	[smem:$0x3FAE] =	sst s4  }
0xd: {  	[smem:$0x3FAF] =	sst s5  }
0xe: {  	[smem:$0x3FB0] =	sst s6  }
0xf: {  	[smem:$0x3FB1] =	sst s7  }
0x10: {  	[smem:$0x3FB2] =	sst s8  }
0x11: {  	[smem:$0x3FB3] =	sst s9;
	s0 =	simm.s32 @!p0 $0x0  }
0x12: {  	s1 =	sld [smem:$0x3F99];
	s0 =	simm.s32 @p0 $0x1  }
0x13: {  	[smem:$0x3FB4] =	sst s0;
	s0 =	simm.s32 @!p1 $0x0  }
0x14: {  	s2 =	sld [smem:$0x3F98];
	s0 =	simm.s32 @p1 $0x1  }
0x15: {  	[smem:$0x3FB5] =	sst s0;
	s0 =	simm.s32 @!p2 $0x0  }
0x16: {  	s3 =	sld [smem:$0x3FDB];
	s0 =	simm.s32 @p2 $0x1  }
0x17: {  	s4 =	simm.s32 $0x1BF5;
	[smem:$0x3FB7] =	sst s0  }
0x18: {  	s0 =	sld [smem:$0x3F9A];
	_ =	swait.ge [sflag:s4], $0x0  }
0x19: {  	s7 =	sld [smem:$0x3F9B]  }
0x1a: {  	s8 =	sadd.s32 $0xFFFFE003, lr  }
0x1b: {  	s9 =	sadd.s32 $0xFFFFFEF7, lr;
	s5 =	simm.s32 $0xFFFFFFFF;
	p2 =	slt.u32 s8, $0xFFFFF086  }
0x1c: {  	p1 =	slt.u32 s9, $0xF7A;
	s5 =	simm.s32 @!p2 $0x0  }
0x1d: {  	s5 =	simm.s32 @p1 $0x1;
	p0 =	seq.s32 s7, s2  }
0x1e: {  	s7 =	smul.u32 @!p0 $0xF7A, s2;
	p2 =	seq.s32 @!p0 s5, $0x0  }
0x1f: {  	s9 =	smul.u32 $0xF7A, s1;
	s8 =	simm.s32 @!p0 $0x1BF5;
	p2 =	por !p2, p0  }
0x20: {  	[sflag:s8] =	ssyncset.s32 @!p0 $0xFFFFF086;
	s6 =	sadd.s32 @!p0 s3, s7;
	s7 =	simm.s32 @!p0 $0x108  }
0x21: {  	s3 =	sadd.s32 s3, s9;
	s6 =	sadd.s32 @!p0 $0x88, s6;
	s7 =	simm.s32 @p2 $0x1082  }
0x22: {  	[simem:s7], [sflag:s8] =	dma.local @!p0 [hbm:s6], $0xF7A  }
0x23: {  	s9 =	sor.u32 $0xD0000000, s2;
	s6 =	simm.s32 $0x108;
	_ =	swait.ge @!p0 [sflag:s8], $0x0  }
0x24: {  	s3 =	sadd.s32 $0x88, s3;
	s6 =	simm.s32 @!p1 $0x1082;
	[sflag:s4] =	ssyncset.s32 $0xFFFFF086  }
0x25: {  	[simem:s6], [sflag:s4] =	dma.local [hbm:s3], $0xF7A  }
0x26: {  	[smem:$0x3F9B] =	sst s1;
	(tag) =	ssettag s2;
	_ =	strace s9  }
0x27: {  	s1 =	sld [smem:$0x3FAB]  }
0x28: {  	s2 =	sld [smem:$0x3FAC]  }
0x29: {  	s4 =	sld [smem:$0x3FAE]  }
0x2a: {  	p0 =	seq.s32 s5, $0x0;
	s5 =	sld [smem:$0x3FAF]  }
0x2b: {  	s6 =	sld [smem:$0x3FB0]  }
0x2c: {  	s7 =	sld [smem:$0x3FB1]  }
0x2d: {  	s3 =	simm.s32 $0x108;
	s8 =	sld [smem:$0x3FB2]  }
0x2e: {  	s3 =	simm.s32 @!p0 $0x1082;
	s9 =	sld [smem:$0x3FB3]  }
0x2f: {  	lr =	sadd.s32 s0, s3;
	s0 =	sld [smem:$0x3FAA]  }
0x30: {  	s3 =	sld [smem:$0x3FAD]  }
0x31: {  	[smem:$0x3FB6] =	sst s10  }
0x32: {  	s10 =	sld [smem:$0x3FB4];
	_ =	sdelay $0x3  }
0x33: {  	p0 =	seq.s32 s10, $0x1;
	s10 =	sld [smem:$0x3FB6];
	_ =	sdelay $0x3  }
0x34: {  	[smem:$0x3FB6] =	sst s10  }
0x35: {  	s10 =	sld [smem:$0x3FB5];
	_ =	sdelay $0x3  }
0x36: {  	p1 =	seq.s32 s10, $0x1;
	s10 =	sld [smem:$0x3FB6];
	_ =	sdelay $0x3  }
0x37: {  	[smem:$0x3FB6] =	sst s10  }
0x38: {  	s10 =	sld [smem:$0x3FB7]  }
0x39: {  	_ = 	snop;
	(pc) =	sbr.ind lr, $3  }
0x3a: {  	_ = 	snop  }
0x3b: {  	_ = 	snop  }
0x3c: {  	p2 =	seq.s32 s10, $0x1;
	s10 =	sld [smem:$0x3FB6]  }
0x3d: {  	_ =	shalt  }
0x3e: {  	_ =	shalt  }
0x3f: {  	_ =	shalt  }
0x40: {  	_ =	shalt  }
0x41: {  	_ =	shalt  }
0x42: {  	_ =	shalt  }
0x43: {  	_ =	shalt  }
0x44: {  	_ =	shalt  }
0x45: {  	_ =	shalt  }
0x46: {  	_ =	shalt  }
0x47: {  	_ =	shalt  }
0x48: {  	_ =	shalt  }
0x49: {  	_ =	shalt  }
0x4a: {  	_ =	shalt  }
0x4b: {  	_ =	shalt  }
0x4c: {  	_ =	shalt  }
0x4d: {  	_ =	shalt  }
0x4e: {  	_ =	shalt  }
0x4f: {  	_ =	shalt  }
0x50: {  	_ =	shalt  }
0x51: {  	_ =	shalt  }
0x52: {  	_ =	shalt  }
0x53: {  	_ =	shalt  }
0x54: {  	_ =	shalt  }
0x55: {  	_ =	shalt  }
0x56: {  	_ =	shalt  }
0x57: {  	_ =	shalt  }
0x58: {  	_ =	shalt  }
0x59: {  	_ =	shalt  }
0x5a: {  	_ =	shalt  }
0x5b: {  	_ =	shalt  }
0x5c: {  	_ =	shalt  }
0x5d: {  	_ =	shalt  }
0x5e: {  	_ =	shalt  }
0x5f: {  	_ =	shalt  }
0x60: {  	_ =	shalt  }
0x61: {  	_ =	shalt  }
0x62: {  	_ =	shalt  }
0x63: {  	_ =	shalt  }
0x64: {  	_ =	shalt  }
0x65: {  	_ =	shalt  }
0x66: {  	_ =	shalt  }
0x67: {  	_ =	shalt  }
0x68: {  	_ =	shalt  }
0x69: {  	_ =	shalt  }
0x6a: {  	_ =	shalt  }
0x6b: {  	_ =	shalt  }
0x6c: {  	_ =	shalt  }
0x6d: {  	_ =	shalt  }
0x6e: {  	_ =	shalt  }
0x6f: {  	_ =	shalt  }
0x70: {  	_ =	shalt  }
0x71: {  	_ =	shalt  }
0x72: {  	_ =	shalt  }
0x73: {  	_ =	shalt  }
0x74: {  	_ =	shalt  }
0x75: {  	_ =	shalt  }
0x76: {  	_ =	shalt  }
0x77: {  	_ =	shalt  }
0x78: {  	_ =	shalt  }
0x79: {  	_ =	shalt  }
0x7a: {  	_ =	shalt  }
0x7b: {  	_ =	shalt  }
0x7c: {  	_ =	shalt  }
0x7d: {  	_ =	shalt  }
0x7e: {  	_ =	shalt  }
0x7f: {  	_ =	shalt  }
0x80: {  	_ =	shalt  }
0x81: {  	_ =	shalt  }
0x82: {  	_ =	shalt  }
0x83: {  	_ =	shalt  }
0x84: {  	_ =	shalt  }
0x85: {  	_ =	shalt  }
0x86: {  	_ =	shalt  }
0x87: {  	_ =	shalt  }
.Lfunc_end0:
.L_simem_size_0:
called_computation_lowered:
.L_overlay_start_0:
0x88: {  	s2 =	sld [smem:$0x3FD9]  }
0x89: {  	s3 =	sld [smem:$0x3FFE];
	_ =	sdelay $0x1  }
0x8a: {  	s1 =	srdreg.scid  }
0x8b: {  	s0 =	sand.u32 $0x1, s1  }
0x8c: {  	s17 =	sshll.u32 s0, $0xA;
	s2 =	sadd.s32 s3, s2  }
0x8d: {  	s2 =	sadd.s32 s2, s17  }
0x8e: {  	[smem:$0x3FC2] =	sst s2  }
0x8f: {  	_ = 	snop  }
0x90: {  	s2 =	sld [smem:$0x3FC6]  }
0x91: {  	s18 =	sld [smem:$0x3FC5]  }
0x92: {  	s4 =	sld [smem:$0x3FC4]  }
0x93: {  	s5 =	sld [smem:$0x3FD0];
	(tm) =	ssettm $0x1  }
0x94: {  	s6 =	sld [smem:$0x3FFB];
	_ =	sdelay $0x3  }
0x95: {  	_ =	strace s6  }
0x96: {  	s6 =	sld [smem:$0x3FFC];
	_ =	sdelay $0x3  }
0x97: {  	_ =	strace s6  }
0x98: {  	s6 =	sld [smem:$0x3FFD];
	_ =	sdelay $0x3  }
0x99: {  	_ =	strace s6  }
0x9a: {  	_ =	strace $0x8FFFFFFF  }
0x9b: {  	s19 =	sld [smem:$0x3FDB];
	_ =	sdelay $0x1  }
0x9c: {  	s7 =	simm.s32 $_scs_section_size  }
0x9d: {  	s8 =	simm.s32 $_size__tile_overlayer_lowered;
	s9 =	simm.s32 $_tile_overlayer_lowered  }
0x9e: {  	s22 =	simm.s32 $0x1BFF;
	s21 =	sshll.u32 s9, $0x1;
	s6 =	sadd.s32 s7, s19  }
0x9f: {  	s10 =	simm.s32 $0x0;
	s20 =	sshll.u32 s8, $0x1;
	s8 =	sadd.s32 s21, s6  }
0xa0: {  	[timem:s10], [sflag:s22] =	dma.local [hbm:s8], s20  }
0xa1: {  	_ =	swait.ge [sflag:s22], s20  }
0xa2: {  	s7 =	ssub.s32 $0x0, s20;
	[sflag:s22] =	ssyncset.done $0x0  }
0xa3: {  	[sflag:s22] =	ssyncadd.s32 s7;
	_ =	sdelay $0x1  }
0xa4: {  	s23 =	simm.s32 $0x1B8B  }
0xa5: {  	_ =	swait.ge [sflag:s23], $0x1  }
0xa6: {  	[sflag:s23] =	ssyncset.done $0x0  }
0xa7: {  	s25 =	simm.s32 $0x1B8E;
	s24 =	sld [smem:$0x3FFE];
	[sflag:s23] =	ssyncadd.s32 $0xFFFFFFFF  }
0xa8: {  	s26 =	simm.s32 $execute0_lowered;
	[smem:$0x3FD2] =	sst s25  }
0xa9: {  	s8 =	sshll.u32 s26, $0x1;
	_ =	strace $0x80000046;
	[dreg:$0x1] =	wrdreg $0xFFFFFFFF  }
0xaa: {  	s28 =	simm.s32 $_size_execute0_lowered;
	s6 =	sadd.s32 s6, s8;
	[dreg:$0x0] =	wrdreg $0x0  }
0xab: {  	s8 =	sshll.u32 s28, $0x1;
	[dreg:$0x2] =	wrdreg s6  }
0xac: {  	[dreg:$0x3] =	wrdreg s8  }
0xad: {  	[dreg:$0x4] =	wrdreg $0xC0  }
0xae: {  	_ =	task [dreg:s10], $0x5FFFF  }
0xaf: {  	[dreg:$0x1] =	wrdreg $0xFFFFFFFF  }
0xb0: {  	[dreg:$0x0] =	wrdreg $0x60  }
0xb1: {  	[dreg:$0x2] =	wrdreg s2  }
0xb2: {  	[dreg:$0x3] =	wrdreg s18  }
0xb3: {  	[dreg:$0x4] =	wrdreg s4  }
0xb4: {  	[dreg:$0x5] =	wrdreg s24  }
0xb5: {  	[dreg:$0x6] =	wrdreg s5  }
0xb6: {  	[dreg:$0x7] =	wrdreg $0x0  }
0xb7: {  	[dreg:$0x8] =	wrdreg $0x9  }
0xb8: {  	_ =	task.clear_ibuf [dreg:s10], $0x9FFFF;
	_ =	strace $0x90000046  }
0xb9: {  	s29 =	simm.s32 $0x9;
	_ =	strace $0x80000048  }
0xba: {  	_ =	swait.ge [sflag:s29], $0x1  }
0xbb: {  	[sflag:s29] =	ssyncadd.s32 $0xFFFFFFFF  }
0xbc: {  	_ =	strace $0x90000048  }
0xbd: {  	_ =	sfence  }
0xbe: {  	s30 =	sld [smem:$0x0];
	_ =	sdelay $0x2  }
0xbf: {  	s31 =	sshll.u32 s1, $0xD;
	s1 =	sshrl.u32 s1, $0x2  }
0xc0: {  	s3 =	sand.u32 $0x4000, s31;
	s1 =	sadd.s32 s1, s30  }
0xc1: {  	s0 =	sor.u32 s3, s0;
	s1 =	sshll.u32 s1, $0x11  }
0xc2: {  	s0 =	sor.u32 s1, s0  }
0xc3: {  	s0 =	sadd.s32 $0x8F2B, s0  }
0xc4: {  	[sflag:s0] =	ssyncadd.remote.s32 $0x1  }
0xc5: {  	_ =	sfence.sel $0xFFFF  }
0xc6: {  	[dreg:$0x0] =	wrdreg $0xFFFFFFFF;
	(pc) =	sbr.abs _section_cstart, $3  }
0xc7: {  	[dreg:$0x1] =	wrdreg $0xFFFFFFFF  }
0xc8: {  	_ =	task.clear_ibuf [dreg:s10], $0x2FFFF;
	_ =	strace $0x9FFFFFFF  }
0xc9: {  	(tm) =	ssettm $0x7FFFFFFF  }
tec
execute0_lowered:
.L_overlay_start_1:
0x0: {  	(tag) =	ssettag $0x1  }
0x1: {  	s0 =	rddreg [dreg:$0x1]  }
0x2: {  	s1 =	rddreg [dreg:$0x2]  }
0x3: {  	s2 =	rddreg [dreg:$0x3]  }
0x4: {  	s5 =	rddreg [dreg:$0x4]  }
0x5: {  	s3 =	rddreg [dreg:$0x5]  }
0x6: {  	s6 =	srdreg.scid;
	s11 =	stileid.u32  }
0x7: {  	s4 =	simm.s32 $0x0;
	s29 =	simm.s32 $0x9800;
	s31 =	simm.s32 $0xD800  }
0x8: {  	s30 =	simm.s32 $0x4;
	s28 =	simm.s32 $0x9;
	s6 =	sand.u32 $0x1, s6  }
0x9: {  	s7 =	sshll.u32 s11, $0x1;
	[smem:$0x7FF] =	sst s4;
	s10 =	sshll.u32 s11, $0x3  }
0xa: {  	s17 =	sshll.u32 s11, $0x4;
	s19 =	sshll.u32 s11, $0xD;
	s24 =	sshll.u32 s11, $0x13  }
0xb: {  	p0 =	sgt.u32 s11, $0xB;
	s7 =	sor.u32 s6, s7;
	_ =	strace $0x80000047  }
0xc: {  	s9 =	ssub.s32 $0x2, s6;
	s16 =	sand.u32 $0x70, s10;
	s20 =	sadd.s32 s19, s3  }
0xd: {  	s26 =	sshll.u32 s6, $0x12;
	s6 =	simm.s32 $0x6;
	s8 =	sshll.u32 s7, $0xB  }
0xe: {  	s15 =	sshrl.u32 s9, $0x1;
	s0 =	sadd.s32 s0, s16;
	s18 =	sshll.u32 s7, $0x12  }
0xf: {  	[dreg:$0xa] =	wrdreg s20;
	s20 =	simm.s32 $0x7;
	s2 =	sadd.s32 s8, s2  }
0x10: {  	s8 =	ssub.s32 s9, s15;
	[dreg:$0x8] =	wrdreg s0;
	s0 =	sand.u32 $0x10, s17  }
0x11: {  	s7 =	sadd.s32 s5, s18;
	s18 =	simm.s32 $0x1800;
	s2 =	sadd.s32 $0x400, s2  }
0x12: {  	s9 =	simm.s32 $0x3;
	s0 =	sadd.s32 s1, s0;
	[dreg:$0x7] =	wrdreg s2  }
0x13: {  	s21 =	sadd.s32 $0x800, s7;
	s22 =	sadd.s32 $0x1000, s7;
	[dreg:$0x9] =	wrdreg s0  }
0x14: {  	s23 =	sadd.s32 $0x1800, s7;
	s25 =	sadd.s32 $0x2000, s7;
	[dreg:$0xb] =	wrdreg s21  }
0x15: {  	s14 =	sadd.s32 $0x3E800, s7;
	s15 =	sadd.s32 $0x3F000, s7;
	[dreg:$0xc] =	wrdreg s22  }
0x16: {  	s16 =	sadd.s32 $0x3F800, s7;
	s17 =	smax.u32 s8, $0x1;
	[dreg:$0xd] =	wrdreg s23  }
0x17: {  	s8 =	simm.s32 $0x5;
	s1 =	simm.s32 $0xA;
	[dreg:$0xe] =	wrdreg s25  }
0x18: {  	s0 =	sadd.s32 s24, s5;
	s21 =	simm.s32 $0xB;
	s24 =	simm.s32 $0x1  }
0x19: {  	s25 =	simm.s32 $0x80;
	s2 =	simm.s32 $0x11800;
	s22 =	simm.s32 $0x15800  }
0x1a: {  	s23 =	simm.s32 $0x2;
	s5 =	simm.s32 $0x0;
	s0 =	sadd.s32 s26, s0  }
0x1b: {  	s26 =	simm.s32 $0x5800;
	s12 =	sadd.s32 $0x4800, s0;
	s0 =	simm.s32 $0x8  }
.LBB2_1:
.Ltmp0:
0x1c: {  	(pc) =	sbr.rel @p0 .LBB2_5-.Ltmp0, $3  }
0x1d: {  	_ =	sdelay $0x1  }
0x1e: {  	s10 =	rddreg [dreg:$0x7]  }
0x1f: {  	[tilespmem:s18], [sflag:$0x1] =	stream.linear.gather [hbm4b:s10+s4], $0x4000, $0x38;
	[tilespmem:$0x1B900] =	vst v63  }
0x20: {  	s10 =	simm.s32 $0x0;
	s11 =	rddreg [dreg:$0x0];
	s13 =	simm.s32 $0x19800  }
0x21: {  	[tilespmem:s13], [sflag:$0xB] =	stream.linear.gather [hbm4b:s11+s10], $0x2000, $0x38;
	[tilespmem:$0x1B900] =	vst v63  }
0x22: {  	_ =	swait.ge [sflag:s21], $0x2000  }
0x23: {  	[sflag:s21] =	ssyncset.done $0x0  }
0x24: {  	s19 =	simm.s32 $0x1B800;
	s13 =	rddreg [dreg:$0x8];
	[sflag:s21] =	ssyncadd.s32 $0xFFFFE000  }
0x25: {  	[tilespmem:s19], [sflag:$0xB] =	stream.linear.gather [hbm4b:s13+s10], $0x80, $0x38;
	[tilespmem:$0x1B900] =	vst v63  }
0x26: {  	_ =	swait.ge [sflag:s21], $0x80  }
0x27: {  	[sflag:s21] =	ssyncset.done $0x0  }
0x28: {  	s19 =	simm.s32 $0x1B880;
	s13 =	rddreg [dreg:$0x9];
	[sflag:s21] =	ssyncadd.s32 $0xFFFFFF80  }
0x29: {  	[tilespmem:s19], [sflag:$0xB] =	stream.linear.gather [hbm4b:s13+s10], $0x80, $0x38;
	[tilespmem:$0x1B900] =	vst v63  }
0x2a: {  	_ =	swait.ge [sflag:s21], $0x80  }
0x2b: {  	[sflag:s21] =	ssyncset.done $0x0  }
0x2c: {  	[sflag:s21] =	ssyncadd.s32 $0xFFFFFF80  }
0x2d: {  	v0 =	vld [tilespmem:$0x1B800]  }
0x2e: {  	v1 =	vld [tilespmem:$0x1B880]  }
0x2f: {  	v2 =	vld [tilespmem:$0x1B810]  }
0x30: {  	v3 =	vld [tilespmem:$0x1B890]  }
0x31: {  	v4 =	vld [tilespmem:$0x1B820]  }
0x32: {  	v5 =	vld [tilespmem:$0x1B8A0]  }
0x33: {  	v6 =	vld [tilespmem:$0x1B830]  }
0x34: {  	v7 =	vld [tilespmem:$0x1B8B0]  }
0x35: {  	v8 =	vld [tilespmem:$0x1B840]  }
0x36: {  	v9 =	vld [tilespmem:$0x1B8C0]  }
0x37: {  	v10 =	vld [tilespmem:$0x1B850]  }
0x38: {  	v11 =	vld [tilespmem:$0x1B8D0]  }
0x39: {  	v12 =	vld [tilespmem:$0x1B860]  }
0x3a: {  	v63 =	vld [tilespmem:$0x1B8F0];
	v0 =	vadd.f32 v1, v0  }
0x3b: {  	v1 =	vld [tilespmem:$0x1B8E0];
	v2 =	vadd.f32 v3, v2  }
0x3c: {  	v3 =	vld [tilespmem:$0x1B870];
	[tilespmem:$0x1B800] =	vst v0;
	v0 =	vadd.f32 v5, v4  }
0x3d: {  	[tilespmem:$0x1B810] =	vst v2;
	v2 =	vadd.f32 v7, v6  }
0x3e: {  	[tilespmem:$0x1B820] =	vst v0;
	v0 =	vadd.f32 v9, v8  }
0x3f: {  	[tilespmem:$0x1B830] =	vst v2;
	v2 =	vadd.f32 v11, v10  }
0x40: {  	[tilespmem:$0x1B840] =	vst v0;
	v0 =	vadd.f32 v1, v12  }
0x41: {  	[tilespmem:$0x1B850] =	vst v2;
	v1 =	vadd.f32 v63, v3  }
0x42: {  	[tilespmem:$0x1B860] =	vst v0  }
0x43: {  	s10 =	simm.s32 $0x0;
	[tilespmem:$0x1B870] =	vst v1  }
0x44: {  	s11 =	simm.s32 $0x200;
	v0 =	vld [tilespmem:s10+$0x19800]  }
.LBB2_3:
0x45: {  	p1 =	sne.s32 s11, $0x7E00;
	v1 =	vld [tilespmem:$0x1B800];
	_ =	sdelay $0x4  }
0x46: {  	v0 =	vadd.f32 v1, v0;
	_ =	sdelay $0x1  }
0x47: {  	[tilespmem:s10+$0x19800] =	vst v0;
	v0 =	vld [tilespmem:s10+$0x19810]  }
0x48: {  	v1 =	vld [tilespmem:$0x1B810];
	_ =	sdelay $0x4  }
0x49: {  	v0 =	vadd.f32 v1, v0;
	_ =	sdelay $0x1  }
0x4a: {  	[tilespmem:s10+$0x19810] =	vst v0;
	v0 =	vld [tilespmem:s10+$0x19820]  }
0x4b: {  	v1 =	vld [tilespmem:$0x1B820];
	_ =	sdelay $0x4  }
0x4c: {  	v0 =	vadd.f32 v1, v0;
	_ =	sdelay $0x1  }
0x4d: {  	[tilespmem:s10+$0x19820] =	vst v0;
	v0 =	vld [tilespmem:s10+$0x19830]  }
0x4e: {  	v1 =	vld [tilespmem:$0x1B830];
	_ =	sdelay $0x4  }
0x4f: {  	v0 =	vadd.f32 v1, v0;
	_ =	sdelay $0x1  }
0x50: {  	[tilespmem:s10+$0x19830] =	vst v0;
	v0 =	vld [tilespmem:s10+$0x19840]  }
0x51: {  	v1 =	vld [tilespmem:$0x1B840];
	_ =	sdelay $0x4  }
0x52: {  	v0 =	vadd.f32 v1, v0;
	_ =	sdelay $0x1  }
0x53: {  	[tilespmem:s10+$0x19840] =	vst v0;
	v0 =	vld [tilespmem:s10+$0x19850]  }
0x54: {  	v1 =	vld [tilespmem:$0x1B850];
	_ =	sdelay $0x4  }
0x55: {  	v0 =	vadd.f32 v1, v0;
	_ =	sdelay $0x1  }
0x56: {  	[tilespmem:s10+$0x19850] =	vst v0;
	v0 =	vld [tilespmem:s10+$0x19860]  }
0x57: {  	v1 =	vld [tilespmem:$0x1B860];
	_ =	sdelay $0x4  }
0x58: {  	v0 =	vadd.f32 v1, v0;
	_ =	sdelay $0x1  }
0x59: {  	[tilespmem:s10+$0x19860] =	vst v0;
	v0 =	vld [tilespmem:s10+$0x19870]  }
0x5a: {  	v1 =	vld [tilespmem:$0x1B870];
	_ =	sdelay $0x2  }
.Ltmp1:
0x5b: {  	(pc) =	sbr.rel @p1 .LBB2_3-.Ltmp1, $4  }
0x5c: {  	_ = 	snop  }
0x5d: {  	v1 =	vadd.f32 v1, v0  }
0x5e: {  	s13 =	sshra.s32 s11, $0x2  }
0x5f: {  	s11 =	sadd.s32 $0x200, s11;
	v0 =	vld [tilespmem:s13+$0x19800];
	[tilespmem:s10+$0x19870] =	vst v1;
	s10 =	smov.u32 s13  }
0x60: {  	v1 =	vld [tilespmem:$0x1B800];
	_ =	sdelay $0x4  }
0x61: {  	v0 =	vadd.f32 v1, v0;
	_ =	sdelay $0x1  }
0x62: {  	v50 =	vld [tilespmem:s10+$0x19810];
	[tilespmem:s10+$0x19800] =	vst v0  }
0x63: {  	v51 =	vld [tilespmem:$0x1B810];
	_ =	sdelay $0x4  }
0x64: {  	v0 =	vadd.f32 v51, v50;
	_ =	sdelay $0x1  }
0x65: {  	v52 =	vld [tilespmem:s10+$0x19820];
	[tilespmem:s10+$0x19810] =	vst v0  }
0x66: {  	v53 =	vld [tilespmem:$0x1B820];
	_ =	sdelay $0x4  }
0x67: {  	v0 =	vadd.f32 v53, v52;
	_ =	sdelay $0x1  }
0x68: {  	v54 =	vld [tilespmem:s10+$0x19830];
	[tilespmem:s10+$0x19820] =	vst v0  }
0x69: {  	v55 =	vld [tilespmem:$0x1B830];
	_ =	sdelay $0x4  }
0x6a: {  	v0 =	vadd.f32 v55, v54;
	_ =	sdelay $0x1  }
0x6b: {  	v56 =	vld [tilespmem:s10+$0x19840];
	[tilespmem:s10+$0x19830] =	vst v0  }
0x6c: {  	v57 =	vld [tilespmem:$0x1B840];
	_ =	sdelay $0x4  }
0x6d: {  	v0 =	vadd.f32 v57, v56;
	_ =	sdelay $0x1  }
0x6e: {  	v58 =	vld [tilespmem:s10+$0x19850];
	[tilespmem:s10+$0x19840] =	vst v0  }
0x6f: {  	v59 =	vld [tilespmem:$0x1B850];
	_ =	sdelay $0x4  }
0x70: {  	v0 =	vadd.f32 v59, v58;
	_ =	sdelay $0x1  }
0x71: {  	v60 =	vld [tilespmem:s10+$0x19860];
	[tilespmem:s10+$0x19850] =	vst v0  }
0x72: {  	v61 =	vld [tilespmem:$0x1B860];
	_ =	sdelay $0x4  }
0x73: {  	v0 =	vadd.f32 v61, v60;
	_ =	sdelay $0x1  }
0x74: {  	v62 =	vld [tilespmem:s10+$0x19870];
	[tilespmem:s10+$0x19860] =	vst v0  }
0x75: {  	v63 =	vld [tilespmem:$0x1B870];
	_ =	sdelay $0x4  }
0x76: {  	v0 =	vadd.f32 v63, v62;
	_ =	sdelay $0x1  }
0x77: {  	s19 =	rddreg [dreg:$0xa];
	s11 =	simm.s32 $0x19800;
	[tilespmem:s10+$0x19870] =	vst v0  }
0x78: {  	[spmem:s19] =	stream.linear.scatter [tilespmem:s11], [sflag:$0xB], $0x2000, $0x38;
	[tilespmem:$0x1B900] =	vst v63  }
0x79: {  	_ =	swait.ge [sflag:s21], $0x2000  }
0x7a: {  	[sflag:s21] =	ssyncset.done $0x0  }
0x7b: {  	[sflag:s21] =	ssyncadd.s32 $0xFFFFE000  }
.LBB2_5:
0x7c: {  	_ =	swait.ge [sflag:s24], $0x4000  }
0x7d: {  	[sflag:s24] =	ssyncset.done $0x0  }
0x7e: {  	[sflag:s24] =	ssyncadd.s32 $0xFFFFC000  }
0x7f: {  	[bflag:$0x0] =	sbarrier.arrive $0xFFFF  }
0x80: {  	[tilespmem:s26], [sflag:$0x1] =	stream.indirect.gather [spmem:s3], $0x80, s18, s25, $0xb8;
	[tilespmem:$0x1B900] =	vst v63  }
0x81: {  	s10 =	simm.s32 $0x1880  }
0x82: {  	[tilespmem:s29], [sflag:$0x2] =	stream.indirect.gather [spmem:s3], $0x80, s10, s25, $0xb8;
	[tilespmem:$0x1B900] =	vst v63  }
0x83: {  	s11 =	simm.s32 $0x1900  }
0x84: {  	[tilespmem:s31], [sflag:$0x3] =	stream.indirect.gather [spmem:s3], $0x80, s11, s25, $0xb8;
	[tilespmem:$0x1B900] =	vst v63  }
0x85: {  	s13 =	simm.s32 $0x1980  }
0x86: {  	[tilespmem:s2], [sflag:$0x4] =	stream.indirect.gather [spmem:s3], $0x80, s13, s25, $0xb8;
	[tilespmem:$0x1B900] =	vst v63  }
0x87: {  	_ =	swait.ge [sflag:s24], $0x4000  }
0x88: {  	[sflag:s24] =	ssyncset.done $0x0  }
0x89: {  	s10 =	simm.s32 $0x0;
	[sflag:s24] =	ssyncadd.s32 $0xFFFFC000  }
0x8a: {  	[hbm4b:s7+s10] =	stream.linear.scatter [tilespmem:s26], [sflag:$0x6], $0x4000, $0x38;
	[tilespmem:$0x1B900] =	vst v63  }
0x8b: {  	s11 =	simm.s32 $0x1A00  }
0x8c: {  	[tilespmem:s22], [sflag:$0x5] =	stream.indirect.gather [spmem:s3], $0x80, s11, s25, $0xb8;
	[tilespmem:$0x1B900] =	vst v63  }
0x8d: {  	_ =	swait.ge [sflag:s23], $0x4000  }
0x8e: {  	[sflag:s23] =	ssyncset.done $0x0  }
0x8f: {  	s18 =	rddreg [dreg:$0xb];
	[sflag:s23] =	ssyncadd.s32 $0xFFFFC000  }
0x90: {  	[hbm4b:s18+s10] =	stream.linear.scatter [tilespmem:s29], [sflag:$0x7], $0x4000, $0x38;
	[tilespmem:$0x1B900] =	vst v63  }
0x91: {  	_ =	swait.ge [sflag:s6], $0x4000  }
0x92: {  	[sflag:s6] =	ssyncset.done $0x0  }
0x93: {  	s19 =	simm.s32 $0x1A80;
	[sflag:s6] =	ssyncadd.s32 $0xFFFFC000  }
0x94: {  	[tilespmem:s26], [sflag:$0x1] =	stream.indirect.gather [spmem:s3], $0x80, s19, s25, $0xb8;
	[tilespmem:$0x1B900] =	vst v63  }
0x95: {  	_ =	swait.ge [sflag:s9], $0x4000  }
0x96: {  	[sflag:s9] =	ssyncset.done $0x0  }
0x97: {  	s13 =	rddreg [dreg:$0xc];
	[sflag:s9] =	ssyncadd.s32 $0xFFFFC000  }
0x98: {  	[hbm4b:s13+s10] =	stream.linear.scatter [tilespmem:s31], [sflag:$0x8], $0x4000, $0x38;
	[tilespmem:$0x1B900] =	vst v63  }
0x99: {  	_ =	swait.ge [sflag:s20], $0x4000  }
0x9a: {  	[sflag:s20] =	ssyncset.done $0x0  }
0x9b: {  	s18 =	simm.s32 $0x1B00;
	[sflag:s20] =	ssyncadd.s32 $0xFFFFC000  }
0x9c: {  	[tilespmem:s29], [sflag:$0x2] =	stream.indirect.gather [spmem:s3], $0x80, s18, s25, $0xb8;
	[tilespmem:$0x1B900] =	vst v63  }
0x9d: {  	_ =	swait.ge [sflag:s30], $0x4000  }
0x9e: {  	[sflag:s30] =	ssyncset.done $0x0  }
0x9f: {  	s19 =	rddreg [dreg:$0xd];
	[sflag:s30] =	ssyncadd.s32 $0xFFFFC000  }
0xa0: {  	[hbm4b:s19+s10] =	stream.linear.scatter [tilespmem:s2], [sflag:$0x9], $0x4000, $0x38;
	[tilespmem:$0x1B900] =	vst v63  }
0xa1: {  	_ =	swait.ge [sflag:s0], $0x4000  }
0xa2: {  	[sflag:s0] =	ssyncset.done $0x0  }
0xa3: {  	s13 =	simm.s32 $0x1B80;
	[sflag:s0] =	ssyncadd.s32 $0xFFFFC000  }
0xa4: {  	[tilespmem:s31], [sflag:$0x3] =	stream.indirect.gather [spmem:s3], $0x80, s13, s25, $0xb8;
	[tilespmem:$0x1B900] =	vst v63  }
0xa5: {  	_ =	swait.ge [sflag:s8], $0x4000  }
0xa6: {  	[sflag:s8] =	ssyncset.done $0x0  }
0xa7: {  	s18 =	rddreg [dreg:$0xe];
	[sflag:s8] =	ssyncadd.s32 $0xFFFFC000  }
0xa8: {  	[hbm4b:s18+s10] =	stream.linear.scatter [tilespmem:s22], [sflag:$0xA], $0x4000, $0x38;
	[tilespmem:$0x1B900] =	vst v63  }
0xa9: {  	_ =	swait.ge [sflag:s28], $0x4000  }
0xaa: {  	[sflag:s28] =	ssyncset.done $0x0  }
0xab: {  	s19 =	simm.s32 $0x1C00;
	[sflag:s28] =	ssyncadd.s32 $0xFFFFC000  }
0xac: {  	[tilespmem:s2], [sflag:$0x4] =	stream.indirect.gather [spmem:s3], $0x80, s19, s25, $0xb8;
	[tilespmem:$0x1B900] =	vst v63  }
0xad: {  	_ =	swait.ge [sflag:s24], $0x4000  }
0xae: {  	[sflag:s24] =	ssyncset.done $0x0  }
0xaf: {  	s11 =	sadd.s32 $0xFFFFE000, s12;
	[sflag:s24] =	ssyncadd.s32 $0xFFFFC000  }
0xb0: {  	[hbm4b:s11+s4] =	stream.linear.scatter [tilespmem:s26], [sflag:$0x6], $0x4000, $0x38;
	[tilespmem:$0x1B900] =	vst v63  }
0xb1: {  	_ =	swait.ge [sflag:s1], $0x4000  }
0xb2: {  	[sflag:s1] =	ssyncset.done $0x0  }
0xb3: {  	s13 =	simm.s32 $0x1C80;
	[sflag:s1] =	ssyncadd.s32 $0xFFFFC000  }
0xb4: {  	[tilespmem:s22], [sflag:$0x5] =	stream.indirect.gather [spmem:s3], $0x80, s13, s25, $0xb8;
	[tilespmem:$0x1B900] =	vst v63  }
0xb5: {  	_ =	swait.ge [sflag:s23], $0x4000  }
0xb6: {  	[sflag:s23] =	ssyncset.done $0x0  }
0xb7: {  	s18 =	sadd.s32 $0xFFFFE800, s12;
	[sflag:s23] =	ssyncadd.s32 $0xFFFFC000  }
0xb8: {  	[hbm4b:s18+s4] =	stream.linear.scatter [tilespmem:s29], [sflag:$0x7], $0x4000, $0x38;
	[tilespmem:$0x1B900] =	vst v63  }
0xb9: {  	_ =	swait.ge [sflag:s6], $0x4000  }
0xba: {  	[sflag:s6] =	ssyncset.done $0x0  }
0xbb: {  	s19 =	simm.s32 $0x1D00;
	[sflag:s6] =	ssyncadd.s32 $0xFFFFC000  }
0xbc: {  	[tilespmem:s26], [sflag:$0x1] =	stream.indirect.gather [spmem:s3], $0x80, s19, s25, $0xb8;
	[tilespmem:$0x1B900] =	vst v63  }
0xbd: {  	_ =	swait.ge [sflag:s9], $0x4000  }
0xbe: {  	[sflag:s9] =	ssyncset.done $0x0  }
0xbf: {  	s11 =	sadd.s32 $0xFFFFF000, s12;
	[sflag:s9] =	ssyncadd.s32 $0xFFFFC000  }
0xc0: {  	[hbm4b:s11+s4] =	stream.linear.scatter [tilespmem:s31], [sflag:$0x8], $0x4000, $0x38;
	[tilespmem:$0x1B900] =	vst v63  }
0xc1: {  	_ =	swait.ge [sflag:s20], $0x4000  }
0xc2: {  	[sflag:s20] =	ssyncset.done $0x0  }
0xc3: {  	s13 =	simm.s32 $0x1D80;
	[sflag:s20] =	ssyncadd.s32 $0xFFFFC000  }
0xc4: {  	[tilespmem:s29], [sflag:$0x2] =	stream.indirect.gather [spmem:s3], $0x80, s13, s25, $0xb8;
	[tilespmem:$0x1B900] =	vst v63  }
0xc5: {  	_ =	swait.ge [sflag:s30], $0x4000  }
0xc6: {  	[sflag:s30] =	ssyncset.done $0x0  }
0xc7: {  	s18 =	sadd.s32 $0xFFFFF800, s12;
	[sflag:s30] =	ssyncadd.s32 $0xFFFFC000  }
0xc8: {  	[hbm4b:s18+s4] =	stream.linear.scatter [tilespmem:s2], [sflag:$0x9], $0x4000, $0x38;
	[tilespmem:$0x1B900] =	vst v63  }
0xc9: {  	_ =	swait.ge [sflag:s0], $0x4000  }
0xca: {  	[sflag:s0] =	ssyncset.done $0x0  }
0xcb: {  	s19 =	simm.s32 $0x1E00;
	[sflag:s0] =	ssyncadd.s32 $0xFFFFC000  }
0xcc: {  	[tilespmem:s31], [sflag:$0x3] =	stream.indirect.gather [spmem:s3], $0x80, s19, s25, $0xb8;
	[tilespmem:$0x1B900] =	vst v63  }
0xcd: {  	_ =	swait.ge [sflag:s8], $0x4000  }
0xce: {  	s10 =	simm.s32 $0xA00;
	[sflag:s8] =	ssyncset.done $0x0  }
0xcf: {  	s11 =	sadd.s32 $0x2800, s12;
	s18 =	smov.u32 s12;
	[sflag:s8] =	ssyncadd.s32 $0xFFFFC000  }
.LBB2_6:
0xd0: {  	[hbm4b:s18+s4] =	stream.linear.scatter [tilespmem:s22], [sflag:$0xA], $0x4000, $0x38;
	[tilespmem:$0x1B900] =	vst v63  }
0xd1: {  	s13 =	smov.u32 s10;
	s18 =	smov.u32 s11  }
0xd2: {  	p1 =	sne.s32 s10, $0xE600;
	s10 =	sadd.s32 $0xA00, s10;
	_ =	swait.ge [sflag:s28], $0x4000  }
0xd3: {  	s13 =	sshra.s32 s13, $0x2;
	[sflag:s28] =	ssyncset.done $0x0  }
0xd4: {  	s19 =	sadd.s32 $0x1C00, s13;
	[sflag:s28] =	ssyncadd.s32 $0xFFFFC000  }
0xd5: {  	[tilespmem:s2], [sflag:$0x4] =	stream.indirect.gather [spmem:s3], $0x80, s19, s25, $0xb8;
	[tilespmem:$0x1B900] =	vst v63  }
0xd6: {  	_ =	swait.ge [sflag:s24], $0x4000  }
0xd7: {  	[sflag:s24] =	ssyncset.done $0x0  }
0xd8: {  	s19 =	sadd.s32 $0xFFFFE000, s11;
	[sflag:s24] =	ssyncadd.s32 $0xFFFFC000  }
0xd9: {  	[hbm4b:s19+s4] =	stream.linear.scatter [tilespmem:s26], [sflag:$0x6], $0x4000, $0x38;
	[tilespmem:$0x1B900] =	vst v63  }
0xda: {  	_ =	swait.ge [sflag:s1], $0x4000  }
0xdb: {  	[sflag:s1] =	ssyncset.done $0x0  }
0xdc: {  	s19 =	sadd.s32 $0x1C80, s13;
	[sflag:s1] =	ssyncadd.s32 $0xFFFFC000  }
0xdd: {  	[tilespmem:s22], [sflag:$0x5] =	stream.indirect.gather [spmem:s3], $0x80, s19, s25, $0xb8;
	[tilespmem:$0x1B900] =	vst v63  }
0xde: {  	_ =	swait.ge [sflag:s23], $0x4000  }
0xdf: {  	[sflag:s23] =	ssyncset.done $0x0  }
0xe0: {  	s19 =	sadd.s32 $0xFFFFE800, s11;
	[sflag:s23] =	ssyncadd.s32 $0xFFFFC000  }
0xe1: {  	[hbm4b:s19+s4] =	stream.linear.scatter [tilespmem:s29], [sflag:$0x7], $0x4000, $0x38;
	[tilespmem:$0x1B900] =	vst v63  }
0xe2: {  	_ =	swait.ge [sflag:s6], $0x4000  }
0xe3: {  	[sflag:s6] =	ssyncset.done $0x0  }
0xe4: {  	s19 =	sadd.s32 $0x1D00, s13;
	[sflag:s6] =	ssyncadd.s32 $0xFFFFC000  }
0xe5: {  	[tilespmem:s26], [sflag:$0x1] =	stream.indirect.gather [spmem:s3], $0x80, s19, s25, $0xb8;
	[tilespmem:$0x1B900] =	vst v63  }
0xe6: {  	_ =	swait.ge [sflag:s9], $0x4000  }
0xe7: {  	[sflag:s9] =	ssyncset.done $0x0  }
0xe8: {  	s19 =	sadd.s32 $0xFFFFF000, s11;
	[sflag:s9] =	ssyncadd.s32 $0xFFFFC000  }
0xe9: {  	[hbm4b:s19+s4] =	stream.linear.scatter [tilespmem:s31], [sflag:$0x8], $0x4000, $0x38;
	[tilespmem:$0x1B900] =	vst v63  }
0xea: {  	_ =	swait.ge [sflag:s20], $0x4000  }
0xeb: {  	[sflag:s20] =	ssyncset.done $0x0  }
0xec: {  	s19 =	sadd.s32 $0x1D80, s13;
	[sflag:s20] =	ssyncadd.s32 $0xFFFFC000  }
0xed: {  	[tilespmem:s29], [sflag:$0x2] =	stream.indirect.gather [spmem:s3], $0x80, s19, s25, $0xb8;
	[tilespmem:$0x1B900] =	vst v63  }
0xee: {  	_ =	swait.ge [sflag:s30], $0x4000  }
0xef: {  	[sflag:s30] =	ssyncset.done $0x0  }
0xf0: {  	s19 =	sadd.s32 $0xFFFFF800, s11;
	[sflag:s30] =	ssyncadd.s32 $0xFFFFC000  }
0xf1: {  	[hbm4b:s19+s4] =	stream.linear.scatter [tilespmem:s2], [sflag:$0x9], $0x4000, $0x38;
	[tilespmem:$0x1B900] =	vst v63  }
0xf2: {  	_ =	swait.ge [sflag:s0], $0x4000  }
0xf3: {  	[sflag:s0] =	ssyncset.done $0x0  }
.Ltmp2:
0xf4: {  	s13 =	sadd.s32 $0x1E00, s13;
	[sflag:s0] =	ssyncadd.s32 $0xFFFFC000;
	(pc) =	sbr.rel @p1 .LBB2_6-.Ltmp2, $4  }
0xf5: {  	[tilespmem:s31], [sflag:$0x3] =	stream.indirect.gather [spmem:s3], $0x80, s13, s25, $0xb8;
	[tilespmem:$0x1B900] =	vst v63  }
0xf6: {  	_ =	swait.ge [sflag:s8], $0x4000  }
0xf7: {  	[sflag:s8] =	ssyncset.done $0x0  }
0xf8: {  	s11 =	sadd.s32 $0x2800, s11;
	[sflag:s8] =	ssyncadd.s32 $0xFFFFC000  }
0xf9: {  	[hbm4b:s18+s4] =	stream.linear.scatter [tilespmem:s22], [sflag:$0xA], $0x4000, $0x38;
	[tilespmem:$0x1B900] =	vst v63  }
0xfa: {  	_ =	swait.ge [sflag:s24], $0x4000  }
0xfb: {  	[sflag:s24] =	ssyncset.done $0x0  }
0xfc: {  	[sflag:s24] =	ssyncadd.s32 $0xFFFFC000  }
0xfd: {  	[hbm4b:s14+s4] =	stream.linear.scatter [tilespmem:s26], [sflag:$0x6], $0x4000, $0x38;
	[tilespmem:$0x1B900] =	vst v63  }
0xfe: {  	_ =	swait.ge [sflag:s23], $0x4000  }
0xff: {  	[sflag:s23] =	ssyncset.done $0x0  }
0x100: {  	[sflag:s23] =	ssyncadd.s32 $0xFFFFC000  }
0x101: {  	[hbm4b:s15+s4] =	stream.linear.scatter [tilespmem:s29], [sflag:$0x7], $0x4000, $0x38;
	[tilespmem:$0x1B900] =	vst v63  }
0x102: {  	_ =	swait.ge [sflag:s9], $0x4000  }
0x103: {  	[sflag:s9] =	ssyncset.done $0x0  }
0x104: {  	[sflag:s9] =	ssyncadd.s32 $0xFFFFC000  }
0x105: {  	[hbm4b:s16+s4] =	stream.linear.scatter [tilespmem:s31], [sflag:$0x8], $0x4000, $0x38;
	[tilespmem:$0x1B900] =	vst v63  }
0x106: {  	_ =	swait.ge [sflag:s28], $0x4000  }
0x107: {  	[sflag:s28] =	ssyncset.done $0x0  }
0x108: {  	[sflag:s28] =	ssyncadd.s32 $0xFFFFC000  }
0x109: {  	_ =	swait.ge [sflag:s1], $0x4000  }
0x10a: {  	[sflag:s1] =	ssyncset.done $0x0  }
0x10b: {  	[sflag:s1] =	ssyncadd.s32 $0xFFFFC000  }
0x10c: {  	_ =	swait.ge [sflag:s6], $0x4000  }
0x10d: {  	[sflag:s6] =	ssyncset.done $0x0  }
0x10e: {  	s5 =	sadd.s32 $0x1, s5;
	[sflag:s6] =	ssyncadd.s32 $0xFFFFC000  }
0x10f: {  	p1 =	sne.s32 s5, s17;
	_ =	swait.ge [sflag:s20], $0x4000  }
.Ltmp3:
0x110: {  	[sflag:s20] =	ssyncset.done $0x0;
	(pc) =	sbr.rel @p1 .LBB2_1-.Ltmp3, $4  }
0x111: {  	[sflag:s20] =	ssyncadd.s32 $0xFFFFC000  }
0x112: {  	_ =	swait.ge [sflag:s0], $0x4000  }
0x113: {  	[sflag:s0] =	ssyncset.done $0x0  }
0x114: {  	s18 =	simm.s32 $0x1800;
	[sflag:s0] =	ssyncadd.s32 $0xFFFFC000  }
0x115: {  	_ =	sfence.sel $0x180000  }
0x116: {  	[bflag:$0x0] =	sbarrier.arrive $0xFFFF  }
0x117: {  	_ =	strace $0x90000047  }
0x118: {  	s0 =	stileid.u32;
	[bflag:$0x2] =	sbarrier.arrive $0xFFFF  }
0x119: {  	p0 =	sne.s32 s0, $0x0;
	s0 =	rddreg [dreg:$0x6]  }
0x11a: {  	s0 =	sadd.s32 @!p0 $0x100000, s0  }
0x11b: {  	[sflag:s0] =	ssyncadd.tile.s32 @!p0 $0x1;
	_ =	shalt  }
.Lfunc_end2:
_tile_overlayer_lowered:
.L_overlay_start_2:
0x11c: {  	(tag) =	ssettag $0x2  }
0x11d: {  	s0 =	rddreg [dreg:$0x0];
	s2 =	stileid.u32  }
0x11e: {  	s1 =	rddreg [dreg:$0x1];
	p0 =	sne.s32 s2, $0x0  }
0x11f: {  	s3 =	rddreg [dreg:$0x2];
	[bflag:$0x3] =	sbarrier.arrive $0xFFFF;
	s2 =	simm.s32 @!p0 $0x1C0B  }
0x120: {  	[timem:s3], [sflag:s2] =	dma.local @!p0 [hbm:s0], s1  }
0x121: {  	s0 =	simm.s32 @!p0 $0xB  }
0x122: {  	_ =	swait.ge @!p0 [sflag:s0], s1  }
0x123: {  	s1 =	ssub.s32 @!p0 $0x0, s1;
	[sflag:s0] =	ssyncset.done @!p0 $0x0  }
0x124: {  	[sflag:s0] =	ssyncadd.s32 @!p0 s1  }
0x125: {  	[bflag:$0x3] =	sbarrier.arrive $0xFFFF  }
0x126: {  	_ =	shalt  }

</sc_bundles>
